<compile_context>
chip_gen: v7x
topology: tpu7x:2x2x1
jax: 0.10.2.dev20260603
libtpu: 0.0.44.dev20260713+nightly
codegen_flags: <defaults>
</compile_context>

<pallas_src>
import jax
import jax.numpy as jnp
from jax import lax
from jax.experimental import pallas as pl
from jax.experimental.pallas import tpu as pltpu
from jax.experimental.pallas import tpu_sc as plsc

N = 10000
E = 320000
D_IN = 128
D_HID = 256
D_OUT = 128

NC, NS, LB = 2, 16, 128
NW = NC * NS
K = -(-E // (NW * LB))
EPAD = NW * K * LB
KT = 2 * K
K0 = K
K1 = KT - K0
KMAX = max(K0, K1)
NPAD = 10240
R16 = NPAD // NS
BM = 1280
GRID = NPAD // BM

_mesh = plsc.VectorSubcoreMesh(
    core_axis_name="c", subcore_axis_name="s", num_cores=NC, num_subcores=NS)



def _sc_deg_body(dst_hbm, ones_hbm, zeros_hbm, out_hbm, didx_v, ones_v, acc_sh):
    c = lax.axis_index("c")
    s = lax.axis_index("s")
    wid = s * NC + c
    pltpu.sync_copy(zeros_hbm.at[pl.ds(s * R16, R16)],
                    acc_sh.at[pl.ds(s * R16, R16)])
    pltpu.sync_copy(dst_hbm.at[wid], didx_v)
    pltpu.sync_copy(ones_hbm, ones_v)
    plsc.subcore_barrier()

    def step(j, carry):
        pltpu.sync_copy(ones_v, acc_sh.at[didx_v.at[j]], add=True)
        return carry
    lax.fori_loop(0, K, step, 0)

    plsc.subcore_barrier()
    pltpu.sync_copy(acc_sh.at[pl.ds(s * R16, R16)],
                    out_hbm.at[c, pl.ds(s * R16, R16)])


_sc_deg = pl.kernel(
    _sc_deg_body,
    out_type=jax.ShapeDtypeStruct((NC, NPAD, 128), jnp.float32),
    mesh=_mesh,
    scratch_types=[
        pltpu.VMEM((K, LB), jnp.int32),
        pltpu.VMEM((LB, 128), jnp.float32),
        pltpu.VMEM_SHARED((NPAD, 128), jnp.float32),
    ],
)



def _sc_scatter_body(src0_hbm, dst0_hbm, src1_hbm, dst1_hbm, rows_hbm,
                     zeros_hbm, out_hbm, sidx_v, didx_v, bufa_v, acc_sh):
    c = lax.axis_index("c")
    s = lax.axis_index("s")

    @pl.when(c == 0)
    def _():
        pltpu.sync_copy(rows_hbm.at[pl.ds(s * R16, R16)],
                        acc_sh.at[pl.ds(s * R16, R16)])

    @pl.when(c == 1)
    def _():
        pltpu.sync_copy(zeros_hbm.at[pl.ds(s * R16, R16)],
                        acc_sh.at[pl.ds(s * R16, R16)])

    plsc.subcore_barrier()

    def step(j, carry):
        pltpu.sync_copy(rows_hbm.at[sidx_v.at[j]], bufa_v)
        pltpu.sync_copy(bufa_v, acc_sh.at[didx_v.at[j]], add=True)
        return carry

    @pl.when(c == 0)
    def _():
        pltpu.sync_copy(src0_hbm.at[s], sidx_v.at[pl.ds(0, K0)])
        pltpu.sync_copy(dst0_hbm.at[s], didx_v.at[pl.ds(0, K0)])
        lax.fori_loop(0, K0, step, 0)

    @pl.when(c == 1)
    def _():
        pltpu.sync_copy(src1_hbm.at[s], sidx_v.at[pl.ds(0, K1)])
        pltpu.sync_copy(dst1_hbm.at[s], didx_v.at[pl.ds(0, K1)])
        lax.fori_loop(0, K1, step, 0)

    plsc.subcore_barrier()
    pltpu.sync_copy(acc_sh.at[pl.ds(s * R16, R16)],
                    out_hbm.at[c, pl.ds(s * R16, R16)])


_sc_scatter = pl.kernel(
    _sc_scatter_body,
    out_type=jax.ShapeDtypeStruct((NC, NPAD, 128), jnp.float32),
    mesh=_mesh,
    scratch_types=[
        pltpu.VMEM((KMAX, LB), jnp.int32),
        pltpu.VMEM((KMAX, LB), jnp.int32),
        pltpu.VMEM((LB, 128), jnp.float32),
        pltpu.VMEM_SHARED((NPAD, 128), jnp.float32),
    ],
)



def _tc_prep_body(c0_ref, c1_ref, x_ref, xs_ref, dv_ref):
    deg = c0_ref[0] + c1_ref[0] + 1.0
    dv = lax.rsqrt(deg)
    dv_ref[...] = dv[:, 0:16]
    xs_ref[...] = x_ref[...] * dv


_tc_prep = pl.pallas_call(
    _tc_prep_body,
    grid=(GRID,),
    in_specs=[
        pl.BlockSpec((1, BM, 128), lambda i: (0, i, 0)),
        pl.BlockSpec((1, BM, 128), lambda i: (1, i, 0)),
        pl.BlockSpec((BM, 128), lambda i: (i, 0)),
    ],
    out_specs=[
        pl.BlockSpec((BM, 128), lambda i: (i, 0)),
        pl.BlockSpec((BM, 16), lambda i: (i, 0)),
    ],
    out_shape=[
        jax.ShapeDtypeStruct((NPAD, 128), jnp.float32),
        jax.ShapeDtypeStruct((NPAD, 16), jnp.float32),
    ],
)


def _tc_mid_body(p0_ref, p1_ref, dv_ref, w1_ref, b1_ref, w2_ref, o_ref):
    d = dv_ref[...][:, 0:1]
    z = (p0_ref[0] + p1_ref[0]) * d
    h = jnp.dot(z, w1_ref[...], preferred_element_type=jnp.float32)
    h = jnp.maximum(h + b1_ref[...], 0.0)
    y = jnp.dot(h, w2_ref[...], preferred_element_type=jnp.float32)
    o_ref[...] = y * d


_tc_mid = pl.pallas_call(
    _tc_mid_body,
    grid=(GRID,),
    in_specs=[
        pl.BlockSpec((1, BM, 128), lambda i: (0, i, 0)),
        pl.BlockSpec((1, BM, 128), lambda i: (1, i, 0)),
        pl.BlockSpec((BM, 16), lambda i: (i, 0)),
        pl.BlockSpec((D_IN, D_HID), lambda i: (0, 0)),
        pl.BlockSpec((1, D_HID), lambda i: (0, 0)),
        pl.BlockSpec((D_HID, D_OUT), lambda i: (0, 0)),
    ],
    out_specs=pl.BlockSpec((BM, 128), lambda i: (i, 0)),
    out_shape=jax.ShapeDtypeStruct((NPAD, 128), jnp.float32),
)


def _tc_fin_body(q0_ref, q1_ref, dv_ref, b2_ref, o_ref):
    d = dv_ref[...][:, 0:1]
    o_ref[...] = jnp.maximum((q0_ref[0] + q1_ref[0]) * d + b2_ref[...], 0.0)


_tc_fin = pl.pallas_call(
    _tc_fin_body,
    grid=(GRID,),
    in_specs=[
        pl.BlockSpec((1, BM, 128), lambda i: (0, i, 0)),
        pl.BlockSpec((1, BM, 128), lambda i: (1, i, 0)),
        pl.BlockSpec((BM, 16), lambda i: (i, 0)),
        pl.BlockSpec((1, D_OUT), lambda i: (0, 0)),
    ],
    out_specs=pl.BlockSpec((BM, 128), lambda i: (i, 0)),
    out_shape=jax.ShapeDtypeStruct((NPAD, 128), jnp.float32),
)


def kernel(edge_index, edge_weight, W1, b1, W2, b2):
    ei = edge_index.astype(jnp.int32)
    pad_e = EPAD - E
    src = jnp.concatenate([ei[0], jnp.zeros((pad_e,), jnp.int32)]).reshape(NS, KT, LB)
    dst = jnp.concatenate([ei[1], jnp.full((pad_e,), N, jnp.int32)]).reshape(NS, KT, LB)
    src0, src1 = src[:, :K0], src[:, K0:]
    dst0, dst1 = dst[:, :K0], dst[:, K0:]
    dst_bal = dst.reshape(NW, K, LB)
    x_pad = jnp.pad(edge_weight, ((0, NPAD - N), (0, 0)))
    zeros_rows = jnp.zeros((NPAD, 128), jnp.float32)
    ones_rows = jnp.ones((LB, 128), jnp.float32)

    cnt = _sc_deg(dst_bal, ones_rows, zeros_rows)
    xs, dv = _tc_prep(cnt, cnt, x_pad)
    p = _sc_scatter(src0, dst0, src1, dst1, xs, zeros_rows)
    ys2 = _tc_mid(p, p, dv, W1, b1.reshape(1, -1), W2)
    q = _sc_scatter(src0, dst0, src1, dst1, ys2, zeros_rows)
    out = _tc_fin(q, q, dv, b2.reshape(1, -1))
    return out[:N]

# --- scband reference (transcript-rebuilt; emitter-appended) ---
"""Pipeline reference for scband-gcnencoder-55379308314959 (READ-ONLY COPY).

The authoritative reference and input builder live on the scoring server;
editing this copy changes nothing except your own understanding.
"""

import jax, jax.numpy as jnp
import numpy as np

NUM_NODES = 10000
NUM_EDGES = 320000
INPUT_DIM = 128
HIDDEN_DIM = 256
EMBED_DIM = 128


def setup_inputs(seed: int = 0) -> dict:
    key = jax.random.key(seed)
    k1, k2, k3, k4, k5, k6 = jax.random.split(key, 6)
    edge_index = jax.random.randint(k1, (2, NUM_EDGES), 0, NUM_NODES, dtype=jnp.int64)
    edge_weight = jax.random.normal(k2, (NUM_NODES, INPUT_DIM), dtype=jnp.float32)
    s1 = 1.0 / np.sqrt(INPUT_DIM)
    s2 = 1.0 / np.sqrt(HIDDEN_DIM)
    W1 = jax.random.uniform(k3, (INPUT_DIM, HIDDEN_DIM), dtype=jnp.float32, minval=-s1, maxval=s1)
    b1 = jax.random.uniform(k4, (HIDDEN_DIM,), dtype=jnp.float32, minval=-s1, maxval=s1)
    W2 = jax.random.uniform(k5, (HIDDEN_DIM, EMBED_DIM), dtype=jnp.float32, minval=-s2, maxval=s2)
    b2 = jax.random.uniform(k6, (EMBED_DIM,), dtype=jnp.float32, minval=-s2, maxval=s2)
    return {"edge_index": edge_index, "edge_weight": edge_weight, "W1": W1, "b1": b1, "W2": W2, "b2": b2}


def _gcn_conv(x, edge_index, W, b, num_nodes):
    # GCNConv with self-loops and symmetric normalization: D^-1/2 (A+I) D^-1/2 x W + b
    loops = jnp.arange(num_nodes, dtype=edge_index.dtype)
    src = jnp.concatenate([edge_index[0], loops])
    dst = jnp.concatenate([edge_index[1], loops])
    ones = jnp.ones(src.shape[0], dtype=x.dtype)
    deg = jax.ops.segment_sum(ones, dst, num_segments=num_nodes)
    deg_inv_sqrt = jnp.where(deg > 0, jax.lax.rsqrt(deg), 0.0)
    norm = deg_inv_sqrt[src] * deg_inv_sqrt[dst]
    msgs = jnp.take(x, src, axis=0) * norm[:, None]
    agg = jax.ops.segment_sum(msgs, dst, num_segments=num_nodes)
    return agg @ W + b


def reference(edge_index, edge_weight, W1, b1, W2, b2):
    # forward: x = relu(conv1(edge_index, edge_weight)); x = relu(conv2(edge_index, x))
    x = jax.nn.relu(_gcn_conv(edge_weight, edge_index, W1, b1, NUM_NODES))
    x = jax.nn.relu(_gcn_conv(x, edge_index, W2, b2, NUM_NODES))
    return x

if __name__ == "__main__":
    import jax
    _d = setup_inputs()
    print(jax.jit(kernel)(*tuple(_d.values())))

</pallas_src>

<mosaic_0001>
#map = affine_map<(d0, d1) -> (0, 0, 0)>
#map1 = affine_map<(d0, d1) -> (0, 0)>
module attributes {stable_mosaic.version = 14 : i64} {
  func.func @_sc_scatter_body(%arg0: i32, %arg1: i32, %arg2: memref<16x79x128xi32, #tpu.memory_space<hbm>>, %arg3: memref<16x79x128xi32, #tpu.memory_space<hbm>>, %arg4: memref<16x79x128xi32, #tpu.memory_space<hbm>>, %arg5: memref<16x79x128xi32, #tpu.memory_space<hbm>>, %arg6: memref<10240x128xf32, #tpu.memory_space<hbm>>, %arg7: memref<10240x128xf32, #tpu.memory_space<hbm>>, %arg8: memref<2x10240x128xf32, #tpu.memory_space<hbm>>, %arg9: memref<79x128xi32, #tpu.memory_space<vmem>>, %arg10: memref<79x128xi32, #tpu.memory_space<vmem>>, %arg11: memref<128x128xf32, #tpu.memory_space<vmem>>, %arg12: memref<10240x128xf32, #tpu.memory_space<vmem_shared>>) attributes {dimension_semantics = [#tpu.dimension_semantics<core_parallel>, #tpu.dimension_semantics<subcore_parallel>], iteration_bounds = array<i64: 2, 16>, scalar_prefetch = 0 : i64, scratch_operands = 4 : i64, tpu.core_type = #tpu.core_type<sc_vector_subcore>, window_params = [{transform_indices = #map}, {transform_indices = #map}, {transform_indices = #map}, {transform_indices = #map}, {transform_indices = #map1}, {transform_indices = #map1}, {transform_indices = #map}]} {
    %eq3A = arith.constant 0 : i32
    %eq3A_0 = arith.cmpi eq, %arg0, %eq3A : i32
    %convert_element_type3A = arith.extui %eq3A_0 : i1 to i32
    %cond3A = arith.constant 0 : i32
    %cond3A_1 = arith.cmpi ne, %convert_element_type3A, %cond3A : i32
    scf.if %cond3A_1 {
      %mul3A_21 = arith.constant 640 : i32
      %mul3A_22 = arith.muli %arg1, %mul3A_21 : i32
      %mul3A_23 = arith.constant 640 : i32
      %mul3A_24 = arith.muli %arg1, %mul3A_23 : i32
      "tpu.region"() ({
        %run_scoped3A = tpu.sem_alloc : memref<!tpu.dma_semaphore, #tpu.memory_space<semaphore_mem>>
        %dma_start3A = arith.constant 0 : i32
        %dma_start3A_25 = tpu.memref_slice %arg12[%mul3A_24, %dma_start3A] : memref<10240x128xf32, #tpu.memory_space<vmem_shared>> -> memref<640x128xf32, #tpu.memory_space<vmem_shared>>
        %dma_start3A_26 = arith.constant 0 : i32
        %dma_start3A_27 = tpu.memref_slice %arg6[%mul3A_22, %dma_start3A_26] : memref<10240x128xf32, #tpu.memory_space<hbm>> -> memref<640x128xf32, #tpu.memory_space<hbm>>
        tpu.enqueue_dma source(%dma_start3A_27 : memref<640x128xf32, #tpu.memory_space<hbm>>) target(%dma_start3A_25 : memref<640x128xf32, #tpu.memory_space<vmem_shared>>) target_semaphore(%run_scoped3A : memref<!tpu.dma_semaphore, #tpu.memory_space<semaphore_mem>>)
        %dma_wait3A = arith.constant 0 : i32
        %dma_wait3A_28 = tpu.memref_slice %arg12[%mul3A_24, %dma_wait3A] : memref<10240x128xf32, #tpu.memory_space<vmem_shared>> -> memref<640x128xf32, #tpu.memory_space<vmem_shared>>
        %dma_wait3A_29 = arith.constant 0 : i32
        %dma_wait3A_30 = tpu.memref_slice %arg6[%mul3A_22, %dma_wait3A_29] : memref<10240x128xf32, #tpu.memory_space<hbm>> -> memref<640x128xf32, #tpu.memory_space<hbm>>
        tpu.wait_dma2 semaphore(%run_scoped3A : memref<!tpu.dma_semaphore, #tpu.memory_space<semaphore_mem>>) src(%dma_wait3A_30 : memref<640x128xf32, #tpu.memory_space<hbm>>) dst(%dma_wait3A_28 : memref<640x128xf32, #tpu.memory_space<vmem_shared>>)
        tpu.yield
      }) : () -> ()
    } else {
    }
    %eq3A_2 = arith.constant 1 : i32
    %eq3A_3 = arith.cmpi eq, %arg0, %eq3A_2 : i32
    %convert_element_type3A_4 = arith.extui %eq3A_3 : i1 to i32
    %cond3A_5 = arith.constant 0 : i32
    %cond3A_6 = arith.cmpi ne, %convert_element_type3A_4, %cond3A_5 : i32
    scf.if %cond3A_6 {
      %mul3A_21 = arith.constant 640 : i32
      %mul3A_22 = arith.muli %arg1, %mul3A_21 : i32
      %mul3A_23 = arith.constant 640 : i32
      %mul3A_24 = arith.muli %arg1, %mul3A_23 : i32
      "tpu.region"() ({
        %run_scoped3A = tpu.sem_alloc : memref<!tpu.dma_semaphore, #tpu.memory_space<semaphore_mem>>
        %dma_start3A = arith.constant 0 : i32
        %dma_start3A_25 = tpu.memref_slice %arg12[%mul3A_24, %dma_start3A] : memref<10240x128xf32, #tpu.memory_space<vmem_shared>> -> memref<640x128xf32, #tpu.memory_space<vmem_shared>>
        %dma_start3A_26 = arith.constant 0 : i32
        %dma_start3A_27 = tpu.memref_slice %arg7[%mul3A_22, %dma_start3A_26] : memref<10240x128xf32, #tpu.memory_space<hbm>> -> memref<640x128xf32, #tpu.memory_space<hbm>>
        tpu.enqueue_dma source(%dma_start3A_27 : memref<640x128xf32, #tpu.memory_space<hbm>>) target(%dma_start3A_25 : memref<640x128xf32, #tpu.memory_space<vmem_shared>>) target_semaphore(%run_scoped3A : memref<!tpu.dma_semaphore, #tpu.memory_space<semaphore_mem>>)
        %dma_wait3A = arith.constant 0 : i32
        %dma_wait3A_28 = tpu.memref_slice %arg12[%mul3A_24, %dma_wait3A] : memref<10240x128xf32, #tpu.memory_space<vmem_shared>> -> memref<640x128xf32, #tpu.memory_space<vmem_shared>>
        %dma_wait3A_29 = arith.constant 0 : i32
        %dma_wait3A_30 = tpu.memref_slice %arg7[%mul3A_22, %dma_wait3A_29] : memref<10240x128xf32, #tpu.memory_space<hbm>> -> memref<640x128xf32, #tpu.memory_space<hbm>>
        tpu.wait_dma2 semaphore(%run_scoped3A : memref<!tpu.dma_semaphore, #tpu.memory_space<semaphore_mem>>) src(%dma_wait3A_30 : memref<640x128xf32, #tpu.memory_space<hbm>>) dst(%dma_wait3A_28 : memref<640x128xf32, #tpu.memory_space<vmem_shared>>)
        tpu.yield
      }) : () -> ()
    } else {
    }
    %barrier3A = arith.constant 0 : index
    tpu.barrier barrier_id(%barrier3A)
    %eq3A_7 = arith.constant 0 : i32
    %eq3A_8 = arith.cmpi eq, %arg0, %eq3A_7 : i32
    %convert_element_type3A_9 = arith.extui %eq3A_8 : i1 to i32
    %cond3A_10 = arith.constant 0 : i32
    %cond3A_11 = arith.cmpi ne, %convert_element_type3A_9, %cond3A_10 : i32
    scf.if %cond3A_11 {
      "tpu.region"() ({
        %run_scoped3A = tpu.sem_alloc : memref<!tpu.dma_semaphore, #tpu.memory_space<semaphore_mem>>
        %dma_start3A = arith.constant 0 : i32
        %dma_start3A_26 = arith.constant 0 : i32
        %dma_start3A_27 = tpu.memref_slice %arg9[%dma_start3A, %dma_start3A_26] : memref<79x128xi32, #tpu.memory_space<vmem>> -> memref<79x128xi32, #tpu.memory_space<vmem>>
        %dma_start3A_28 = arith.constant 0 : i32
        %dma_start3A_29 = arith.constant 0 : i32
        %dma_start3A_30 = tpu.memref_slice %arg2[%arg1, %dma_start3A_28, %dma_start3A_29] : memref<16x79x128xi32, #tpu.memory_space<hbm>> -> memref<1x79x128xi32, #tpu.memory_space<hbm>>
        %dma_start3A_31 = tpu.memref_squeeze %dma_start3A_30 : memref<1x79x128xi32, #tpu.memory_space<hbm>> -> memref<79x128xi32, #tpu.memory_space<hbm>>
        %dma_start3A_32 = arith.constant 0 : i32
        %dma_start3A_33 = arith.constant 0 : i32
        %dma_start3A_34 = tpu.memref_slice %arg9[%dma_start3A_32, %dma_start3A_33] : memref<79x128xi32, #tpu.memory_space<vmem>> -> memref<79x128xi32, #tpu.memory_space<vmem>>
        %dma_start3A_35 = arith.constant 0 : i32
        %dma_start3A_36 = arith.constant 0 : i32
        %dma_start3A_37 = tpu.memref_slice %arg2[%arg1, %dma_start3A_35, %dma_start3A_36] : memref<16x79x128xi32, #tpu.memory_space<hbm>> -> memref<1x79x128xi32, #tpu.memory_space<hbm>>
        %dma_start3A_38 = tpu.memref_squeeze %dma_start3A_37 : memref<1x79x128xi32, #tpu.memory_space<hbm>> -> memref<79x128xi32, #tpu.memory_space<hbm>>
        tpu.enqueue_dma source(%dma_start3A_38 : memref<79x128xi32, #tpu.memory_space<hbm>>) target(%dma_start3A_34 : memref<79x128xi32, #tpu.memory_space<vmem>>) target_semaphore(%run_scoped3A : memref<!tpu.dma_semaphore, #tpu.memory_space<semaphore_mem>>)
        %dma_wait3A = arith.constant 0 : i32
        %dma_wait3A_39 = arith.constant 0 : i32
        %dma_wait3A_40 = tpu.memref_slice %arg9[%dma_wait3A, %dma_wait3A_39] : memref<79x128xi32, #tpu.memory_space<vmem>> -> memref<79x128xi32, #tpu.memory_space<vmem>>
        %dma_wait3A_41 = arith.constant 0 : i32
        %dma_wait3A_42 = arith.constant 0 : i32
        %dma_wait3A_43 = tpu.memref_slice %arg2[%arg1, %dma_wait3A_41, %dma_wait3A_42] : memref<16x79x128xi32, #tpu.memory_space<hbm>> -> memref<1x79x128xi32, #tpu.memory_space<hbm>>
        %dma_wait3A_44 = tpu.memref_squeeze %dma_wait3A_43 : memref<1x79x128xi32, #tpu.memory_space<hbm>> -> memref<79x128xi32, #tpu.memory_space<hbm>>
        %dma_wait3A_45 = arith.constant 0 : i32
        %dma_wait3A_46 = arith.constant 0 : i32
        %dma_wait3A_47 = tpu.memref_slice %arg9[%dma_wait3A_45, %dma_wait3A_46] : memref<79x128xi32, #tpu.memory_space<vmem>> -> memref<79x128xi32, #tpu.memory_space<vmem>>
        %dma_wait3A_48 = arith.constant 0 : i32
        %dma_wait3A_49 = arith.constant 0 : i32
        %dma_wait3A_50 = tpu.memref_slice %arg2[%arg1, %dma_wait3A_48, %dma_wait3A_49] : memref<16x79x128xi32, #tpu.memory_space<hbm>> -> memref<1x79x128xi32, #tpu.memory_space<hbm>>
        %dma_wait3A_51 = tpu.memref_squeeze %dma_wait3A_50 : memref<1x79x128xi32, #tpu.memory_space<hbm>> -> memref<79x128xi32, #tpu.memory_space<hbm>>
        tpu.wait_dma2 semaphore(%run_scoped3A : memref<!tpu.dma_semaphore, #tpu.memory_space<semaphore_mem>>) src(%dma_wait3A_51 : memref<79x128xi32, #tpu.memory_space<hbm>>) dst(%dma_wait3A_47 : memref<79x128xi32, #tpu.memory_space<vmem>>)
        tpu.yield
      }) : () -> ()
      "tpu.region"() ({
        %run_scoped3A = tpu.sem_alloc : memref<!tpu.dma_semaphore, #tpu.memory_space<semaphore_mem>>
        %dma_start3A = arith.constant 0 : i32
        %dma_start3A_26 = arith.constant 0 : i32
        %dma_start3A_27 = tpu.memref_slice %arg10[%dma_start3A, %dma_start3A_26] : memref<79x128xi32, #tpu.memory_space<vmem>> -> memref<79x128xi32, #tpu.memory_space<vmem>>
        %dma_start3A_28 = arith.constant 0 : i32
        %dma_start3A_29 = arith.constant 0 : i32
        %dma_start3A_30 = tpu.memref_slice %arg3[%arg1, %dma_start3A_28, %dma_start3A_29] : memref<16x79x128xi32, #tpu.memory_space<hbm>> -> memref<1x79x128xi32, #tpu.memory_space<hbm>>
        %dma_start3A_31 = tpu.memref_squeeze %dma_start3A_30 : memref<1x79x128xi32, #tpu.memory_space<hbm>> -> memref<79x128xi32, #tpu.memory_space<hbm>>
        %dma_start3A_32 = arith.constant 0 : i32
        %dma_start3A_33 = arith.constant 0 : i32
        %dma_start3A_34 = tpu.memref_slice %arg10[%dma_start3A_32, %dma_start3A_33] : memref<79x128xi32, #tpu.memory_space<vmem>> -> memref<79x128xi32, #tpu.memory_space<vmem>>
        %dma_start3A_35 = arith.constant 0 : i32
        %dma_start3A_36 = arith.constant 0 : i32
        %dma_start3A_37 = tpu.memref_slice %arg3[%arg1, %dma_start3A_35, %dma_start3A_36] : memref<16x79x128xi32, #tpu.memory_space<hbm>> -> memref<1x79x128xi32, #tpu.memory_space<hbm>>
        %dma_start3A_38 = tpu.memref_squeeze %dma_start3A_37 : memref<1x79x128xi32, #tpu.memory_space<hbm>> -> memref<79x128xi32, #tpu.memory_space<hbm>>
        tpu.enqueue_dma source(%dma_start3A_38 : memref<79x128xi32, #tpu.memory_space<hbm>>) target(%dma_start3A_34 : memref<79x128xi32, #tpu.memory_space<vmem>>) target_semaphore(%run_scoped3A : memref<!tpu.dma_semaphore, #tpu.memory_space<semaphore_mem>>)
        %dma_wait3A = arith.constant 0 : i32
        %dma_wait3A_39 = arith.constant 0 : i32
        %dma_wait3A_40 = tpu.memref_slice %arg10[%dma_wait3A, %dma_wait3A_39] : memref<79x128xi32, #tpu.memory_space<vmem>> -> memref<79x128xi32, #tpu.memory_space<vmem>>
        %dma_wait3A_41 = arith.constant 0 : i32
        %dma_wait3A_42 = arith.constant 0 : i32
        %dma_wait3A_43 = tpu.memref_slice %arg3[%arg1, %dma_wait3A_41, %dma_wait3A_42] : memref<16x79x128xi32, #tpu.memory_space<hbm>> -> memref<1x79x128xi32, #tpu.memory_space<hbm>>
        %dma_wait3A_44 = tpu.memref_squeeze %dma_wait3A_43 : memref<1x79x128xi32, #tpu.memory_space<hbm>> -> memref<79x128xi32, #tpu.memory_space<hbm>>
        %dma_wait3A_45 = arith.constant 0 : i32
        %dma_wait3A_46 = arith.constant 0 : i32
        %dma_wait3A_47 = tpu.memref_slice %arg10[%dma_wait3A_45, %dma_wait3A_46] : memref<79x128xi32, #tpu.memory_space<vmem>> -> memref<79x128xi32, #tpu.memory_space<vmem>>
        %dma_wait3A_48 = arith.constant 0 : i32
        %dma_wait3A_49 = arith.constant 0 : i32
        %dma_wait3A_50 = tpu.memref_slice %arg3[%arg1, %dma_wait3A_48, %dma_wait3A_49] : memref<16x79x128xi32, #tpu.memory_space<hbm>> -> memref<1x79x128xi32, #tpu.memory_space<hbm>>
        %dma_wait3A_51 = tpu.memref_squeeze %dma_wait3A_50 : memref<1x79x128xi32, #tpu.memory_space<hbm>> -> memref<79x128xi32, #tpu.memory_space<hbm>>
        tpu.wait_dma2 semaphore(%run_scoped3A : memref<!tpu.dma_semaphore, #tpu.memory_space<semaphore_mem>>) src(%dma_wait3A_51 : memref<79x128xi32, #tpu.memory_space<hbm>>) dst(%dma_wait3A_47 : memref<79x128xi32, #tpu.memory_space<vmem>>)
        tpu.yield
      }) : () -> ()
      %scan3A = arith.constant 0 : i32
      %scan3A_21 = arith.constant 0 : i32
      %scan3A_22 = arith.constant 79 : i32
      %scan3A_23 = arith.addi %scan3A_21, %scan3A_22 : i32
      %scan3A_24 = arith.constant 1 : i32
      scf.for %scan3A_26 = %scan3A_21 to %scan3A_23 step %scan3A_24  : i32 {
        "tpu.region"() ({
          %run_scoped3A = tpu.sem_alloc : memref<!tpu.dma_semaphore, #tpu.memory_space<semaphore_mem>>
          %dma_start3A = arith.constant 0 : i32
          %dma_start3A_27 = tpu.memref_slice %arg9[%scan3A_26, %dma_start3A] : memref<79x128xi32, #tpu.memory_space<vmem>> -> memref<1x128xi32, #tpu.memory_space<vmem>>
          %dma_start3A_28 = tpu.memref_squeeze %dma_start3A_27 : memref<1x128xi32, #tpu.memory_space<vmem>> -> memref<128xi32, #tpu.memory_space<vmem>>
          %dma_start3A_29 = arith.constant 0 : i32
          %dma_start3A_30 = arith.constant 0 : i32
          %dma_start3A_31 = tpu.memref_slice %arg6[%dma_start3A_29, %dma_start3A_30] : memref<10240x128xf32, #tpu.memory_space<hbm>> -> memref<10240x128xf32, #tpu.memory_space<hbm>>
          tpu.enqueue_indirect_dma source(%dma_start3A_31 : memref<10240x128xf32, #tpu.memory_space<hbm>>) target(%arg11 : memref<128x128xf32, #tpu.memory_space<vmem>>) offsets(%dma_start3A_28 : memref<128xi32, #tpu.memory_space<vmem>>) semaphore(%run_scoped3A : memref<!tpu.dma_semaphore, #tpu.memory_space<semaphore_mem>>)
          %dma_wait3A = arith.constant 0 : i32
          %dma_wait3A_32 = tpu.memref_slice %arg9[%scan3A_26, %dma_wait3A] : memref<79x128xi32, #tpu.memory_space<vmem>> -> memref<1x128xi32, #tpu.memory_space<vmem>>
          %dma_wait3A_33 = tpu.memref_squeeze %dma_wait3A_32 : memref<1x128xi32, #tpu.memory_space<vmem>> -> memref<128xi32, #tpu.memory_space<vmem>>
          %dma_wait3A_34 = arith.constant 0 : i32
          %dma_wait3A_35 = arith.constant 0 : i32
          %dma_wait3A_36 = tpu.memref_slice %arg6[%dma_wait3A_34, %dma_wait3A_35] : memref<10240x128xf32, #tpu.memory_space<hbm>> -> memref<10240x128xf32, #tpu.memory_space<hbm>>
          tpu.wait_indirect_dma semaphore(%run_scoped3A : memref<!tpu.dma_semaphore, #tpu.memory_space<semaphore_mem>>) src(%dma_wait3A_36 : memref<10240x128xf32, #tpu.memory_space<hbm>>) dst(%arg11 : memref<128x128xf32, #tpu.memory_space<vmem>>)
          tpu.yield
        }) : () -> ()
        "tpu.region"() ({
          %run_scoped3A = tpu.sem_alloc : memref<!tpu.dma_semaphore, #tpu.memory_space<semaphore_mem>>
          %dma_start3A = arith.constant 0 : i32
          %dma_start3A_27 = tpu.memref_slice %arg10[%scan3A_26, %dma_start3A] : memref<79x128xi32, #tpu.memory_space<vmem>> -> memref<1x128xi32, #tpu.memory_space<vmem>>
          %dma_start3A_28 = tpu.memref_squeeze %dma_start3A_27 : memref<1x128xi32, #tpu.memory_space<vmem>> -> memref<128xi32, #tpu.memory_space<vmem>>
          %dma_start3A_29 = arith.constant 0 : i32
          %dma_start3A_30 = arith.constant 0 : i32
          %dma_start3A_31 = tpu.memref_slice %arg12[%dma_start3A_29, %dma_start3A_30] : memref<10240x128xf32, #tpu.memory_space<vmem_shared>> -> memref<10240x128xf32, #tpu.memory_space<vmem_shared>>
          tpu.enqueue_indirect_dma source(%arg11 : memref<128x128xf32, #tpu.memory_space<vmem>>) target(%dma_start3A_31 : memref<10240x128xf32, #tpu.memory_space<vmem_shared>>) offsets(%dma_start3A_28 : memref<128xi32, #tpu.memory_space<vmem>>) semaphore(%run_scoped3A : memref<!tpu.dma_semaphore, #tpu.memory_space<semaphore_mem>>) {add = true}
          %dma_wait3A = arith.constant 0 : i32
          %dma_wait3A_32 = tpu.memref_slice %arg10[%scan3A_26, %dma_wait3A] : memref<79x128xi32, #tpu.memory_space<vmem>> -> memref<1x128xi32, #tpu.memory_space<vmem>>
          %dma_wait3A_33 = tpu.memref_squeeze %dma_wait3A_32 : memref<1x128xi32, #tpu.memory_space<vmem>> -> memref<128xi32, #tpu.memory_space<vmem>>
          %dma_wait3A_34 = arith.constant 0 : i32
          %dma_wait3A_35 = arith.constant 0 : i32
          %dma_wait3A_36 = tpu.memref_slice %arg12[%dma_wait3A_34, %dma_wait3A_35] : memref<10240x128xf32, #tpu.memory_space<vmem_shared>> -> memref<10240x128xf32, #tpu.memory_space<vmem_shared>>
          tpu.wait_indirect_dma semaphore(%run_scoped3A : memref<!tpu.dma_semaphore, #tpu.memory_space<semaphore_mem>>) src(%arg11 : memref<128x128xf32, #tpu.memory_space<vmem>>) dst(%dma_wait3A_36 : memref<10240x128xf32, #tpu.memory_space<vmem_shared>>)
          tpu.yield
        }) : () -> ()
      }
      %scan3A_25 = arith.constant 79 : i32
    } else {
    }
    %eq3A_12 = arith.constant 1 : i32
    %eq3A_13 = arith.cmpi eq, %arg0, %eq3A_12 : i32
    %convert_element_type3A_14 = arith.extui %eq3A_13 : i1 to i32
    %cond3A_15 = arith.constant 0 : i32
    %cond3A_16 = arith.cmpi ne, %convert_element_type3A_14, %cond3A_15 : i32
    scf.if %cond3A_16 {
      "tpu.region"() ({
        %run_scoped3A = tpu.sem_alloc : memref<!tpu.dma_semaphore, #tpu.memory_space<semaphore_mem>>
        %dma_start3A = arith.constant 0 : i32
        %dma_start3A_26 = arith.constant 0 : i32
        %dma_start3A_27 = tpu.memref_slice %arg9[%dma_start3A, %dma_start3A_26] : memref<79x128xi32, #tpu.memory_space<vmem>> -> memref<79x128xi32, #tpu.memory_space<vmem>>
        %dma_start3A_28 = arith.constant 0 : i32
        %dma_start3A_29 = arith.constant 0 : i32
        %dma_start3A_30 = tpu.memref_slice %arg4[%arg1, %dma_start3A_28, %dma_start3A_29] : memref<16x79x128xi32, #tpu.memory_space<hbm>> -> memref<1x79x128xi32, #tpu.memory_space<hbm>>
        %dma_start3A_31 = tpu.memref_squeeze %dma_start3A_30 : memref<1x79x128xi32, #tpu.memory_space<hbm>> -> memref<79x128xi32, #tpu.memory_space<hbm>>
        %dma_start3A_32 = arith.constant 0 : i32
        %dma_start3A_33 = arith.constant 0 : i32
        %dma_start3A_34 = tpu.memref_slice %arg9[%dma_start3A_32, %dma_start3A_33] : memref<79x128xi32, #tpu.memory_space<vmem>> -> memref<79x128xi32, #tpu.memory_space<vmem>>
        %dma_start3A_35 = arith.constant 0 : i32
        %dma_start3A_36 = arith.constant 0 : i32
        %dma_start3A_37 = tpu.memref_slice %arg4[%arg1, %dma_start3A_35, %dma_start3A_36] : memref<16x79x128xi32, #tpu.memory_space<hbm>> -> memref<1x79x128xi32, #tpu.memory_space<hbm>>
        %dma_start3A_38 = tpu.memref_squeeze %dma_start3A_37 : memref<1x79x128xi32, #tpu.memory_space<hbm>> -> memref<79x128xi32, #tpu.memory_space<hbm>>
        tpu.enqueue_dma source(%dma_start3A_38 : memref<79x128xi32, #tpu.memory_space<hbm>>) target(%dma_start3A_34 : memref<79x128xi32, #tpu.memory_space<vmem>>) target_semaphore(%run_scoped3A : memref<!tpu.dma_semaphore, #tpu.memory_space<semaphore_mem>>)
        %dma_wait3A = arith.constant 0 : i32
        %dma_wait3A_39 = arith.constant 0 : i32
        %dma_wait3A_40 = tpu.memref_slice %arg9[%dma_wait3A, %dma_wait3A_39] : memref<79x128xi32, #tpu.memory_space<vmem>> -> memref<79x128xi32, #tpu.memory_space<vmem>>
        %dma_wait3A_41 = arith.constant 0 : i32
        %dma_wait3A_42 = arith.constant 0 : i32
        %dma_wait3A_43 = tpu.memref_slice %arg4[%arg1, %dma_wait3A_41, %dma_wait3A_42] : memref<16x79x128xi32, #tpu.memory_space<hbm>> -> memref<1x79x128xi32, #tpu.memory_space<hbm>>
        %dma_wait3A_44 = tpu.memref_squeeze %dma_wait3A_43 : memref<1x79x128xi32, #tpu.memory_space<hbm>> -> memref<79x128xi32, #tpu.memory_space<hbm>>
        %dma_wait3A_45 = arith.constant 0 : i32
        %dma_wait3A_46 = arith.constant 0 : i32
        %dma_wait3A_47 = tpu.memref_slice %arg9[%dma_wait3A_45, %dma_wait3A_46] : memref<79x128xi32, #tpu.memory_space<vmem>> -> memref<79x128xi32, #tpu.memory_space<vmem>>
        %dma_wait3A_48 = arith.constant 0 : i32
        %dma_wait3A_49 = arith.constant 0 : i32
        %dma_wait3A_50 = tpu.memref_slice %arg4[%arg1, %dma_wait3A_48, %dma_wait3A_49] : memref<16x79x128xi32, #tpu.memory_space<hbm>> -> memref<1x79x128xi32, #tpu.memory_space<hbm>>
        %dma_wait3A_51 = tpu.memref_squeeze %dma_wait3A_50 : memref<1x79x128xi32, #tpu.memory_space<hbm>> -> memref<79x128xi32, #tpu.memory_space<hbm>>
        tpu.wait_dma2 semaphore(%run_scoped3A : memref<!tpu.dma_semaphore, #tpu.memory_space<semaphore_mem>>) src(%dma_wait3A_51 : memref<79x128xi32, #tpu.memory_space<hbm>>) dst(%dma_wait3A_47 : memref<79x128xi32, #tpu.memory_space<vmem>>)
        tpu.yield
      }) : () -> ()
      "tpu.region"() ({
        %run_scoped3A = tpu.sem_alloc : memref<!tpu.dma_semaphore, #tpu.memory_space<semaphore_mem>>
        %dma_start3A = arith.constant 0 : i32
        %dma_start3A_26 = arith.constant 0 : i32
        %dma_start3A_27 = tpu.memref_slice %arg10[%dma_start3A, %dma_start3A_26] : memref<79x128xi32, #tpu.memory_space<vmem>> -> memref<79x128xi32, #tpu.memory_space<vmem>>
        %dma_start3A_28 = arith.constant 0 : i32
        %dma_start3A_29 = arith.constant 0 : i32
        %dma_start3A_30 = tpu.memref_slice %arg5[%arg1, %dma_start3A_28, %dma_start3A_29] : memref<16x79x128xi32, #tpu.memory_space<hbm>> -> memref<1x79x128xi32, #tpu.memory_space<hbm>>
        %dma_start3A_31 = tpu.memref_squeeze %dma_start3A_30 : memref<1x79x128xi32, #tpu.memory_space<hbm>> -> memref<79x128xi32, #tpu.memory_space<hbm>>
        %dma_start3A_32 = arith.constant 0 : i32
        %dma_start3A_33 = arith.constant 0 : i32
        %dma_start3A_34 = tpu.memref_slice %arg10[%dma_start3A_32, %dma_start3A_33] : memref<79x128xi32, #tpu.memory_space<vmem>> -> memref<79x128xi32, #tpu.memory_space<vmem>>
        %dma_start3A_35 = arith.constant 0 : i32
        %dma_start3A_36 = arith.constant 0 : i32
        %dma_start3A_37 = tpu.memref_slice %arg5[%arg1, %dma_start3A_35, %dma_start3A_36] : memref<16x79x128xi32, #tpu.memory_space<hbm>> -> memref<1x79x128xi32, #tpu.memory_space<hbm>>
        %dma_start3A_38 = tpu.memref_squeeze %dma_start3A_37 : memref<1x79x128xi32, #tpu.memory_space<hbm>> -> memref<79x128xi32, #tpu.memory_space<hbm>>
        tpu.enqueue_dma source(%dma_start3A_38 : memref<79x128xi32, #tpu.memory_space<hbm>>) target(%dma_start3A_34 : memref<79x128xi32, #tpu.memory_space<vmem>>) target_semaphore(%run_scoped3A : memref<!tpu.dma_semaphore, #tpu.memory_space<semaphore_mem>>)
        %dma_wait3A = arith.constant 0 : i32
        %dma_wait3A_39 = arith.constant 0 : i32
        %dma_wait3A_40 = tpu.memref_slice %arg10[%dma_wait3A, %dma_wait3A_39] : memref<79x128xi32, #tpu.memory_space<vmem>> -> memref<79x128xi32, #tpu.memory_space<vmem>>
        %dma_wait3A_41 = arith.constant 0 : i32
        %dma_wait3A_42 = arith.constant 0 : i32
        %dma_wait3A_43 = tpu.memref_slice %arg5[%arg1, %dma_wait3A_41, %dma_wait3A_42] : memref<16x79x128xi32, #tpu.memory_space<hbm>> -> memref<1x79x128xi32, #tpu.memory_space<hbm>>
        %dma_wait3A_44 = tpu.memref_squeeze %dma_wait3A_43 : memref<1x79x128xi32, #tpu.memory_space<hbm>> -> memref<79x128xi32, #tpu.memory_space<hbm>>
        %dma_wait3A_45 = arith.constant 0 : i32
        %dma_wait3A_46 = arith.constant 0 : i32
        %dma_wait3A_47 = tpu.memref_slice %arg10[%dma_wait3A_45, %dma_wait3A_46] : memref<79x128xi32, #tpu.memory_space<vmem>> -> memref<79x128xi32, #tpu.memory_space<vmem>>
        %dma_wait3A_48 = arith.constant 0 : i32
        %dma_wait3A_49 = arith.constant 0 : i32
        %dma_wait3A_50 = tpu.memref_slice %arg5[%arg1, %dma_wait3A_48, %dma_wait3A_49] : memref<16x79x128xi32, #tpu.memory_space<hbm>> -> memref<1x79x128xi32, #tpu.memory_space<hbm>>
        %dma_wait3A_51 = tpu.memref_squeeze %dma_wait3A_50 : memref<1x79x128xi32, #tpu.memory_space<hbm>> -> memref<79x128xi32, #tpu.memory_space<hbm>>
        tpu.wait_dma2 semaphore(%run_scoped3A : memref<!tpu.dma_semaphore, #tpu.memory_space<semaphore_mem>>) src(%dma_wait3A_51 : memref<79x128xi32, #tpu.memory_space<hbm>>) dst(%dma_wait3A_47 : memref<79x128xi32, #tpu.memory_space<vmem>>)
        tpu.yield
      }) : () -> ()
      %scan3A = arith.constant 0 : i32
      %scan3A_21 = arith.constant 0 : i32
      %scan3A_22 = arith.constant 79 : i32
      %scan3A_23 = arith.addi %scan3A_21, %scan3A_22 : i32
      %scan3A_24 = arith.constant 1 : i32
      scf.for %scan3A_26 = %scan3A_21 to %scan3A_23 step %scan3A_24  : i32 {
        "tpu.region"() ({
          %run_scoped3A = tpu.sem_alloc : memref<!tpu.dma_semaphore, #tpu.memory_space<semaphore_mem>>
          %dma_start3A = arith.constant 0 : i32
          %dma_start3A_27 = tpu.memref_slice %arg9[%scan3A_26, %dma_start3A] : memref<79x128xi32, #tpu.memory_space<vmem>> -> memref<1x128xi32, #tpu.memory_space<vmem>>
          %dma_start3A_28 = tpu.memref_squeeze %dma_start3A_27 : memref<1x128xi32, #tpu.memory_space<vmem>> -> memref<128xi32, #tpu.memory_space<vmem>>
          %dma_start3A_29 = arith.constant 0 : i32
          %dma_start3A_30 = arith.constant 0 : i32
          %dma_start3A_31 = tpu.memref_slice %arg6[%dma_start3A_29, %dma_start3A_30] : memref<10240x128xf32, #tpu.memory_space<hbm>> -> memref<10240x128xf32, #tpu.memory_space<hbm>>
          tpu.enqueue_indirect_dma source(%dma_start3A_31 : memref<10240x128xf32, #tpu.memory_space<hbm>>) target(%arg11 : memref<128x128xf32, #tpu.memory_space<vmem>>) offsets(%dma_start3A_28 : memref<128xi32, #tpu.memory_space<vmem>>) semaphore(%run_scoped3A : memref<!tpu.dma_semaphore, #tpu.memory_space<semaphore_mem>>)
          %dma_wait3A = arith.constant 0 : i32
          %dma_wait3A_32 = tpu.memref_slice %arg9[%scan3A_26, %dma_wait3A] : memref<79x128xi32, #tpu.memory_space<vmem>> -> memref<1x128xi32, #tpu.memory_space<vmem>>
          %dma_wait3A_33 = tpu.memref_squeeze %dma_wait3A_32 : memref<1x128xi32, #tpu.memory_space<vmem>> -> memref<128xi32, #tpu.memory_space<vmem>>
          %dma_wait3A_34 = arith.constant 0 : i32
          %dma_wait3A_35 = arith.constant 0 : i32
          %dma_wait3A_36 = tpu.memref_slice %arg6[%dma_wait3A_34, %dma_wait3A_35] : memref<10240x128xf32, #tpu.memory_space<hbm>> -> memref<10240x128xf32, #tpu.memory_space<hbm>>
          tpu.wait_indirect_dma semaphore(%run_scoped3A : memref<!tpu.dma_semaphore, #tpu.memory_space<semaphore_mem>>) src(%dma_wait3A_36 : memref<10240x128xf32, #tpu.memory_space<hbm>>) dst(%arg11 : memref<128x128xf32, #tpu.memory_space<vmem>>)
          tpu.yield
        }) : () -> ()
        "tpu.region"() ({
          %run_scoped3A = tpu.sem_alloc : memref<!tpu.dma_semaphore, #tpu.memory_space<semaphore_mem>>
          %dma_start3A = arith.constant 0 : i32
          %dma_start3A_27 = tpu.memref_slice %arg10[%scan3A_26, %dma_start3A] : memref<79x128xi32, #tpu.memory_space<vmem>> -> memref<1x128xi32, #tpu.memory_space<vmem>>
          %dma_start3A_28 = tpu.memref_squeeze %dma_start3A_27 : memref<1x128xi32, #tpu.memory_space<vmem>> -> memref<128xi32, #tpu.memory_space<vmem>>
          %dma_start3A_29 = arith.constant 0 : i32
          %dma_start3A_30 = arith.constant 0 : i32
          %dma_start3A_31 = tpu.memref_slice %arg12[%dma_start3A_29, %dma_start3A_30] : memref<10240x128xf32, #tpu.memory_space<vmem_shared>> -> memref<10240x128xf32, #tpu.memory_space<vmem_shared>>
          tpu.enqueue_indirect_dma source(%arg11 : memref<128x128xf32, #tpu.memory_space<vmem>>) target(%dma_start3A_31 : memref<10240x128xf32, #tpu.memory_space<vmem_shared>>) offsets(%dma_start3A_28 : memref<128xi32, #tpu.memory_space<vmem>>) semaphore(%run_scoped3A : memref<!tpu.dma_semaphore, #tpu.memory_space<semaphore_mem>>) {add = true}
          %dma_wait3A = arith.constant 0 : i32
          %dma_wait3A_32 = tpu.memref_slice %arg10[%scan3A_26, %dma_wait3A] : memref<79x128xi32, #tpu.memory_space<vmem>> -> memref<1x128xi32, #tpu.memory_space<vmem>>
          %dma_wait3A_33 = tpu.memref_squeeze %dma_wait3A_32 : memref<1x128xi32, #tpu.memory_space<vmem>> -> memref<128xi32, #tpu.memory_space<vmem>>
          %dma_wait3A_34 = arith.constant 0 : i32
          %dma_wait3A_35 = arith.constant 0 : i32
          %dma_wait3A_36 = tpu.memref_slice %arg12[%dma_wait3A_34, %dma_wait3A_35] : memref<10240x128xf32, #tpu.memory_space<vmem_shared>> -> memref<10240x128xf32, #tpu.memory_space<vmem_shared>>
          tpu.wait_indirect_dma semaphore(%run_scoped3A : memref<!tpu.dma_semaphore, #tpu.memory_space<semaphore_mem>>) src(%arg11 : memref<128x128xf32, #tpu.memory_space<vmem>>) dst(%dma_wait3A_36 : memref<10240x128xf32, #tpu.memory_space<vmem_shared>>)
          tpu.yield
        }) : () -> ()
      }
      %scan3A_25 = arith.constant 79 : i32
    } else {
    }
    %barrier3A_17 = arith.constant 0 : index
    tpu.barrier barrier_id(%barrier3A_17)
    %mul3A = arith.constant 640 : i32
    %mul3A_18 = arith.muli %arg1, %mul3A : i32
    %mul3A_19 = arith.constant 640 : i32
    %mul3A_20 = arith.muli %arg1, %mul3A_19 : i32
    "tpu.region"() ({
      %run_scoped3A = tpu.sem_alloc : memref<!tpu.dma_semaphore, #tpu.memory_space<semaphore_mem>>
      %dma_start3A = arith.constant 0 : i32
      %dma_start3A_21 = tpu.memref_slice %arg8[%arg0, %mul3A_20, %dma_start3A] : memref<2x10240x128xf32, #tpu.memory_space<hbm>> -> memref<1x640x128xf32, #tpu.memory_space<hbm>>
      %dma_start3A_22 = tpu.memref_squeeze %dma_start3A_21 : memref<1x640x128xf32, #tpu.memory_space<hbm>> -> memref<640x128xf32, #tpu.memory_space<hbm>>
      %dma_start3A_23 = arith.constant 0 : i32
      %dma_start3A_24 = tpu.memref_slice %arg12[%mul3A_18, %dma_start3A_23] : memref<10240x128xf32, #tpu.memory_space<vmem_shared>> -> memref<640x128xf32, #tpu.memory_space<vmem_shared>>
      tpu.enqueue_dma source(%dma_start3A_24 : memref<640x128xf32, #tpu.memory_space<vmem_shared>>) target(%dma_start3A_22 : memref<640x128xf32, #tpu.memory_space<hbm>>) target_semaphore(%run_scoped3A : memref<!tpu.dma_semaphore, #tpu.memory_space<semaphore_mem>>)
      %dma_wait3A = arith.constant 0 : i32
      %dma_wait3A_25 = tpu.memref_slice %arg8[%arg0, %mul3A_20, %dma_wait3A] : memref<2x10240x128xf32, #tpu.memory_space<hbm>> -> memref<1x640x128xf32, #tpu.memory_space<hbm>>
      %dma_wait3A_26 = tpu.memref_squeeze %dma_wait3A_25 : memref<1x640x128xf32, #tpu.memory_space<hbm>> -> memref<640x128xf32, #tpu.memory_space<hbm>>
      %dma_wait3A_27 = arith.constant 0 : i32
      %dma_wait3A_28 = tpu.memref_slice %arg12[%mul3A_18, %dma_wait3A_27] : memref<10240x128xf32, #tpu.memory_space<vmem_shared>> -> memref<640x128xf32, #tpu.memory_space<vmem_shared>>
      tpu.wait_dma2 semaphore(%run_scoped3A : memref<!tpu.dma_semaphore, #tpu.memory_space<semaphore_mem>>) src(%dma_wait3A_28 : memref<640x128xf32, #tpu.memory_space<vmem_shared>>) dst(%dma_wait3A_26 : memref<640x128xf32, #tpu.memory_space<hbm>>)
      tpu.yield
    }) : () -> ()
    return
  }
}

#map = affine_map<(d0, d1) -> (0, 0, 0)>
#map1 = affine_map<(d0, d1) -> (0, 0)>
module attributes {stable_mosaic.version = 14 : i64} {
  func.func @_sc_deg_body(%arg0: i32, %arg1: i32, %arg2: memref<32x79x128xi32, #tpu.memory_space<hbm>>, %arg3: memref<128x128xf32, #tpu.memory_space<hbm>>, %arg4: memref<10240x128xf32, #tpu.memory_space<hbm>>, %arg5: memref<2x10240x128xf32, #tpu.memory_space<hbm>>, %arg6: memref<79x128xi32, #tpu.memory_space<vmem>>, %arg7: memref<128x128xf32, #tpu.memory_space<vmem>>, %arg8: memref<10240x128xf32, #tpu.memory_space<vmem_shared>>) attributes {dimension_semantics = [#tpu.dimension_semantics<core_parallel>, #tpu.dimension_semantics<subcore_parallel>], iteration_bounds = array<i64: 2, 16>, scalar_prefetch = 0 : i64, scratch_operands = 3 : i64, tpu.core_type = #tpu.core_type<sc_vector_subcore>, window_params = [{transform_indices = #map}, {transform_indices = #map1}, {transform_indices = #map1}, {transform_indices = #map}]} {
    %mul3A = arith.constant 2 : i32
    %mul3A_0 = arith.muli %arg1, %mul3A : i32
    %add3A = arith.addi %mul3A_0, %arg0 : i32
    %mul3A_1 = arith.constant 640 : i32
    %mul3A_2 = arith.muli %arg1, %mul3A_1 : i32
    %mul3A_3 = arith.constant 640 : i32
    %mul3A_4 = arith.muli %arg1, %mul3A_3 : i32
    "tpu.region"() ({
      %run_scoped3A = tpu.sem_alloc : memref<!tpu.dma_semaphore, #tpu.memory_space<semaphore_mem>>
      %dma_start3A = arith.constant 0 : i32
      %dma_start3A_15 = tpu.memref_slice %arg8[%mul3A_4, %dma_start3A] : memref<10240x128xf32, #tpu.memory_space<vmem_shared>> -> memref<640x128xf32, #tpu.memory_space<vmem_shared>>
      %dma_start3A_16 = arith.constant 0 : i32
      %dma_start3A_17 = tpu.memref_slice %arg4[%mul3A_2, %dma_start3A_16] : memref<10240x128xf32, #tpu.memory_space<hbm>> -> memref<640x128xf32, #tpu.memory_space<hbm>>
      tpu.enqueue_dma source(%dma_start3A_17 : memref<640x128xf32, #tpu.memory_space<hbm>>) target(%dma_start3A_15 : memref<640x128xf32, #tpu.memory_space<vmem_shared>>) target_semaphore(%run_scoped3A : memref<!tpu.dma_semaphore, #tpu.memory_space<semaphore_mem>>)
      %dma_wait3A = arith.constant 0 : i32
      %dma_wait3A_18 = tpu.memref_slice %arg8[%mul3A_4, %dma_wait3A] : memref<10240x128xf32, #tpu.memory_space<vmem_shared>> -> memref<640x128xf32, #tpu.memory_space<vmem_shared>>
      %dma_wait3A_19 = arith.constant 0 : i32
      %dma_wait3A_20 = tpu.memref_slice %arg4[%mul3A_2, %dma_wait3A_19] : memref<10240x128xf32, #tpu.memory_space<hbm>> -> memref<640x128xf32, #tpu.memory_space<hbm>>
      tpu.wait_dma2 semaphore(%run_scoped3A : memref<!tpu.dma_semaphore, #tpu.memory_space<semaphore_mem>>) src(%dma_wait3A_20 : memref<640x128xf32, #tpu.memory_space<hbm>>) dst(%dma_wait3A_18 : memref<640x128xf32, #tpu.memory_space<vmem_shared>>)
      tpu.yield
    }) : () -> ()
    "tpu.region"() ({
      %run_scoped3A = tpu.sem_alloc : memref<!tpu.dma_semaphore, #tpu.memory_space<semaphore_mem>>
      %dma_start3A = arith.constant 0 : i32
      %dma_start3A_15 = arith.constant 0 : i32
      %dma_start3A_16 = tpu.memref_slice %arg2[%add3A, %dma_start3A, %dma_start3A_15] : memref<32x79x128xi32, #tpu.memory_space<hbm>> -> memref<1x79x128xi32, #tpu.memory_space<hbm>>
      %dma_start3A_17 = tpu.memref_squeeze %dma_start3A_16 : memref<1x79x128xi32, #tpu.memory_space<hbm>> -> memref<79x128xi32, #tpu.memory_space<hbm>>
      %dma_start3A_18 = arith.constant 0 : i32
      %dma_start3A_19 = arith.constant 0 : i32
      %dma_start3A_20 = tpu.memref_slice %arg2[%add3A, %dma_start3A_18, %dma_start3A_19] : memref<32x79x128xi32, #tpu.memory_space<hbm>> -> memref<1x79x128xi32, #tpu.memory_space<hbm>>
      %dma_start3A_21 = tpu.memref_squeeze %dma_start3A_20 : memref<1x79x128xi32, #tpu.memory_space<hbm>> -> memref<79x128xi32, #tpu.memory_space<hbm>>
      tpu.enqueue_dma source(%dma_start3A_21 : memref<79x128xi32, #tpu.memory_space<hbm>>) target(%arg6 : memref<79x128xi32, #tpu.memory_space<vmem>>) target_semaphore(%run_scoped3A : memref<!tpu.dma_semaphore, #tpu.memory_space<semaphore_mem>>)
      %dma_wait3A = arith.constant 0 : i32
      %dma_wait3A_22 = arith.constant 0 : i32
      %dma_wait3A_23 = tpu.memref_slice %arg2[%add3A, %dma_wait3A, %dma_wait3A_22] : memref<32x79x128xi32, #tpu.memory_space<hbm>> -> memref<1x79x128xi32, #tpu.memory_space<hbm>>
      %dma_wait3A_24 = tpu.memref_squeeze %dma_wait3A_23 : memref<1x79x128xi32, #tpu.memory_space<hbm>> -> memref<79x128xi32, #tpu.memory_space<hbm>>
      %dma_wait3A_25 = arith.constant 0 : i32
      %dma_wait3A_26 = arith.constant 0 : i32
      %dma_wait3A_27 = tpu.memref_slice %arg2[%add3A, %dma_wait3A_25, %dma_wait3A_26] : memref<32x79x128xi32, #tpu.memory_space<hbm>> -> memref<1x79x128xi32, #tpu.memory_space<hbm>>
      %dma_wait3A_28 = tpu.memref_squeeze %dma_wait3A_27 : memref<1x79x128xi32, #tpu.memory_space<hbm>> -> memref<79x128xi32, #tpu.memory_space<hbm>>
      tpu.wait_dma2 semaphore(%run_scoped3A : memref<!tpu.dma_semaphore, #tpu.memory_space<semaphore_mem>>) src(%dma_wait3A_28 : memref<79x128xi32, #tpu.memory_space<hbm>>) dst(%arg6 : memref<79x128xi32, #tpu.memory_space<vmem>>)
      tpu.yield
    }) : () -> ()
    "tpu.region"() ({
      %run_scoped3A = tpu.sem_alloc : memref<!tpu.dma_semaphore, #tpu.memory_space<semaphore_mem>>
      tpu.enqueue_dma source(%arg3 : memref<128x128xf32, #tpu.memory_space<hbm>>) target(%arg7 : memref<128x128xf32, #tpu.memory_space<vmem>>) target_semaphore(%run_scoped3A : memref<!tpu.dma_semaphore, #tpu.memory_space<semaphore_mem>>)
      tpu.wait_dma2 semaphore(%run_scoped3A : memref<!tpu.dma_semaphore, #tpu.memory_space<semaphore_mem>>) src(%arg3 : memref<128x128xf32, #tpu.memory_space<hbm>>) dst(%arg7 : memref<128x128xf32, #tpu.memory_space<vmem>>)
      tpu.yield
    }) : () -> ()
    %barrier3A = arith.constant 0 : index
    tpu.barrier barrier_id(%barrier3A)
    %scan3A = arith.constant 0 : i32
    %scan3A_5 = arith.constant 0 : i32
    %scan3A_6 = arith.constant 79 : i32
    %scan3A_7 = arith.addi %scan3A_5, %scan3A_6 : i32
    %scan3A_8 = arith.constant 1 : i32
    scf.for %scan3A_15 = %scan3A_5 to %scan3A_7 step %scan3A_8  : i32 {
      "tpu.region"() ({
        %run_scoped3A = tpu.sem_alloc : memref<!tpu.dma_semaphore, #tpu.memory_space<semaphore_mem>>
        %dma_start3A = arith.constant 0 : i32
        %dma_start3A_16 = tpu.memref_slice %arg6[%scan3A_15, %dma_start3A] : memref<79x128xi32, #tpu.memory_space<vmem>> -> memref<1x128xi32, #tpu.memory_space<vmem>>
        %dma_start3A_17 = tpu.memref_squeeze %dma_start3A_16 : memref<1x128xi32, #tpu.memory_space<vmem>> -> memref<128xi32, #tpu.memory_space<vmem>>
        %dma_start3A_18 = arith.constant 0 : i32
        %dma_start3A_19 = arith.constant 0 : i32
        %dma_start3A_20 = tpu.memref_slice %arg8[%dma_start3A_18, %dma_start3A_19] : memref<10240x128xf32, #tpu.memory_space<vmem_shared>> -> memref<10240x128xf32, #tpu.memory_space<vmem_shared>>
        tpu.enqueue_indirect_dma source(%arg7 : memref<128x128xf32, #tpu.memory_space<vmem>>) target(%dma_start3A_20 : memref<10240x128xf32, #tpu.memory_space<vmem_shared>>) offsets(%dma_start3A_17 : memref<128xi32, #tpu.memory_space<vmem>>) semaphore(%run_scoped3A : memref<!tpu.dma_semaphore, #tpu.memory_space<semaphore_mem>>) {add = true}
        %dma_wait3A = arith.constant 0 : i32
        %dma_wait3A_21 = tpu.memref_slice %arg6[%scan3A_15, %dma_wait3A] : memref<79x128xi32, #tpu.memory_space<vmem>> -> memref<1x128xi32, #tpu.memory_space<vmem>>
        %dma_wait3A_22 = tpu.memref_squeeze %dma_wait3A_21 : memref<1x128xi32, #tpu.memory_space<vmem>> -> memref<128xi32, #tpu.memory_space<vmem>>
        %dma_wait3A_23 = arith.constant 0 : i32
        %dma_wait3A_24 = arith.constant 0 : i32
        %dma_wait3A_25 = tpu.memref_slice %arg8[%dma_wait3A_23, %dma_wait3A_24] : memref<10240x128xf32, #tpu.memory_space<vmem_shared>> -> memref<10240x128xf32, #tpu.memory_space<vmem_shared>>
        tpu.wait_indirect_dma semaphore(%run_scoped3A : memref<!tpu.dma_semaphore, #tpu.memory_space<semaphore_mem>>) src(%arg7 : memref<128x128xf32, #tpu.memory_space<vmem>>) dst(%dma_wait3A_25 : memref<10240x128xf32, #tpu.memory_space<vmem_shared>>)
        tpu.yield
      }) : () -> ()
    }
    %scan3A_9 = arith.constant 79 : i32
    %barrier3A_10 = arith.constant 0 : index
    tpu.barrier barrier_id(%barrier3A_10)
    %mul3A_11 = arith.constant 640 : i32
    %mul3A_12 = arith.muli %arg1, %mul3A_11 : i32
    %mul3A_13 = arith.constant 640 : i32
    %mul3A_14 = arith.muli %arg1, %mul3A_13 : i32
    "tpu.region"() ({
      %run_scoped3A = tpu.sem_alloc : memref<!tpu.dma_semaphore, #tpu.memory_space<semaphore_mem>>
      %dma_start3A = arith.constant 0 : i32
      %dma_start3A_15 = tpu.memref_slice %arg5[%arg0, %mul3A_14, %dma_start3A] : memref<2x10240x128xf32, #tpu.memory_space<hbm>> -> memref<1x640x128xf32, #tpu.memory_space<hbm>>
      %dma_start3A_16 = tpu.memref_squeeze %dma_start3A_15 : memref<1x640x128xf32, #tpu.memory_space<hbm>> -> memref<640x128xf32, #tpu.memory_space<hbm>>
      %dma_start3A_17 = arith.constant 0 : i32
      %dma_start3A_18 = tpu.memref_slice %arg8[%mul3A_12, %dma_start3A_17] : memref<10240x128xf32, #tpu.memory_space<vmem_shared>> -> memref<640x128xf32, #tpu.memory_space<vmem_shared>>
      tpu.enqueue_dma source(%dma_start3A_18 : memref<640x128xf32, #tpu.memory_space<vmem_shared>>) target(%dma_start3A_16 : memref<640x128xf32, #tpu.memory_space<hbm>>) target_semaphore(%run_scoped3A : memref<!tpu.dma_semaphore, #tpu.memory_space<semaphore_mem>>)
      %dma_wait3A = arith.constant 0 : i32
      %dma_wait3A_19 = tpu.memref_slice %arg5[%arg0, %mul3A_14, %dma_wait3A] : memref<2x10240x128xf32, #tpu.memory_space<hbm>> -> memref<1x640x128xf32, #tpu.memory_space<hbm>>
      %dma_wait3A_20 = tpu.memref_squeeze %dma_wait3A_19 : memref<1x640x128xf32, #tpu.memory_space<hbm>> -> memref<640x128xf32, #tpu.memory_space<hbm>>
      %dma_wait3A_21 = arith.constant 0 : i32
      %dma_wait3A_22 = tpu.memref_slice %arg8[%mul3A_12, %dma_wait3A_21] : memref<10240x128xf32, #tpu.memory_space<vmem_shared>> -> memref<640x128xf32, #tpu.memory_space<vmem_shared>>
      tpu.wait_dma2 semaphore(%run_scoped3A : memref<!tpu.dma_semaphore, #tpu.memory_space<semaphore_mem>>) src(%dma_wait3A_22 : memref<640x128xf32, #tpu.memory_space<vmem_shared>>) dst(%dma_wait3A_20 : memref<640x128xf32, #tpu.memory_space<hbm>>)
      tpu.yield
    }) : () -> ()
    return
  }
}

#map = affine_map<(d0, d1) -> (0, 0, 0)>
#map1 = affine_map<(d0, d1) -> (0, 0)>
module attributes {stable_mosaic.version = 14 : i64} {
  func.func @_sc_scatter_body(%arg0: i32, %arg1: i32, %arg2: memref<16x79x128xi32, #tpu.memory_space<hbm>>, %arg3: memref<16x79x128xi32, #tpu.memory_space<hbm>>, %arg4: memref<16x79x128xi32, #tpu.memory_space<hbm>>, %arg5: memref<16x79x128xi32, #tpu.memory_space<hbm>>, %arg6: memref<10240x128xf32, #tpu.memory_space<hbm>>, %arg7: memref<10240x128xf32, #tpu.memory_space<hbm>>, %arg8: memref<2x10240x128xf32, #tpu.memory_space<hbm>>, %arg9: memref<79x128xi32, #tpu.memory_space<vmem>>, %arg10: memref<79x128xi32, #tpu.memory_space<vmem>>, %arg11: memref<128x128xf32, #tpu.memory_space<vmem>>, %arg12: memref<10240x128xf32, #tpu.memory_space<vmem_shared>>) attributes {dimension_semantics = [#tpu.dimension_semantics<core_parallel>, #tpu.dimension_semantics<subcore_parallel>], iteration_bounds = array<i64: 2, 16>, scalar_prefetch = 0 : i64, scratch_operands = 4 : i64, tpu.core_type = #tpu.core_type<sc_vector_subcore>, window_params = [{transform_indices = #map}, {transform_indices = #map}, {transform_indices = #map}, {transform_indices = #map}, {transform_indices = #map1}, {transform_indices = #map1}, {transform_indices = #map}]} {
    %eq3A = arith.constant 0 : i32
    %eq3A_0 = arith.cmpi eq, %arg0, %eq3A : i32
    %convert_element_type3A = arith.extui %eq3A_0 : i1 to i32
    %cond3A = arith.constant 0 : i32
    %cond3A_1 = arith.cmpi ne, %convert_element_type3A, %cond3A : i32
    scf.if %cond3A_1 {
      %mul3A_21 = arith.constant 640 : i32
      %mul3A_22 = arith.muli %arg1, %mul3A_21 : i32
      %mul3A_23 = arith.constant 640 : i32
      %mul3A_24 = arith.muli %arg1, %mul3A_23 : i32
      "tpu.region"() ({
        %run_scoped3A = tpu.sem_alloc : memref<!tpu.dma_semaphore, #tpu.memory_space<semaphore_mem>>
        %dma_start3A = arith.constant 0 : i32
        %dma_start3A_25 = tpu.memref_slice %arg12[%mul3A_24, %dma_start3A] : memref<10240x128xf32, #tpu.memory_space<vmem_shared>> -> memref<640x128xf32, #tpu.memory_space<vmem_shared>>
        %dma_start3A_26 = arith.constant 0 : i32
        %dma_start3A_27 = tpu.memref_slice %arg6[%mul3A_22, %dma_start3A_26] : memref<10240x128xf32, #tpu.memory_space<hbm>> -> memref<640x128xf32, #tpu.memory_space<hbm>>
        tpu.enqueue_dma source(%dma_start3A_27 : memref<640x128xf32, #tpu.memory_space<hbm>>) target(%dma_start3A_25 : memref<640x128xf32, #tpu.memory_space<vmem_shared>>) target_semaphore(%run_scoped3A : memref<!tpu.dma_semaphore, #tpu.memory_space<semaphore_mem>>)
        %dma_wait3A = arith.constant 0 : i32
        %dma_wait3A_28 = tpu.memref_slice %arg12[%mul3A_24, %dma_wait3A] : memref<10240x128xf32, #tpu.memory_space<vmem_shared>> -> memref<640x128xf32, #tpu.memory_space<vmem_shared>>
        %dma_wait3A_29 = arith.constant 0 : i32
        %dma_wait3A_30 = tpu.memref_slice %arg6[%mul3A_22, %dma_wait3A_29] : memref<10240x128xf32, #tpu.memory_space<hbm>> -> memref<640x128xf32, #tpu.memory_space<hbm>>
        tpu.wait_dma2 semaphore(%run_scoped3A : memref<!tpu.dma_semaphore, #tpu.memory_space<semaphore_mem>>) src(%dma_wait3A_30 : memref<640x128xf32, #tpu.memory_space<hbm>>) dst(%dma_wait3A_28 : memref<640x128xf32, #tpu.memory_space<vmem_shared>>)
        tpu.yield
      }) : () -> ()
    } else {
    }
    %eq3A_2 = arith.constant 1 : i32
    %eq3A_3 = arith.cmpi eq, %arg0, %eq3A_2 : i32
    %convert_element_type3A_4 = arith.extui %eq3A_3 : i1 to i32
    %cond3A_5 = arith.constant 0 : i32
    %cond3A_6 = arith.cmpi ne, %convert_element_type3A_4, %cond3A_5 : i32
    scf.if %cond3A_6 {
      %mul3A_21 = arith.constant 640 : i32
      %mul3A_22 = arith.muli %arg1, %mul3A_21 : i32
      %mul3A_23 = arith.constant 640 : i32
      %mul3A_24 = arith.muli %arg1, %mul3A_23 : i32
      "tpu.region"() ({
        %run_scoped3A = tpu.sem_alloc : memref<!tpu.dma_semaphore, #tpu.memory_space<semaphore_mem>>
        %dma_start3A = arith.constant 0 : i32
        %dma_start3A_25 = tpu.memref_slice %arg12[%mul3A_24, %dma_start3A] : memref<10240x128xf32, #tpu.memory_space<vmem_shared>> -> memref<640x128xf32, #tpu.memory_space<vmem_shared>>
        %dma_start3A_26 = arith.constant 0 : i32
        %dma_start3A_27 = tpu.memref_slice %arg7[%mul3A_22, %dma_start3A_26] : memref<10240x128xf32, #tpu.memory_space<hbm>> -> memref<640x128xf32, #tpu.memory_space<hbm>>
        tpu.enqueue_dma source(%dma_start3A_27 : memref<640x128xf32, #tpu.memory_space<hbm>>) target(%dma_start3A_25 : memref<640x128xf32, #tpu.memory_space<vmem_shared>>) target_semaphore(%run_scoped3A : memref<!tpu.dma_semaphore, #tpu.memory_space<semaphore_mem>>)
        %dma_wait3A = arith.constant 0 : i32
        %dma_wait3A_28 = tpu.memref_slice %arg12[%mul3A_24, %dma_wait3A] : memref<10240x128xf32, #tpu.memory_space<vmem_shared>> -> memref<640x128xf32, #tpu.memory_space<vmem_shared>>
        %dma_wait3A_29 = arith.constant 0 : i32
        %dma_wait3A_30 = tpu.memref_slice %arg7[%mul3A_22, %dma_wait3A_29] : memref<10240x128xf32, #tpu.memory_space<hbm>> -> memref<640x128xf32, #tpu.memory_space<hbm>>
        tpu.wait_dma2 semaphore(%run_scoped3A : memref<!tpu.dma_semaphore, #tpu.memory_space<semaphore_mem>>) src(%dma_wait3A_30 : memref<640x128xf32, #tpu.memory_space<hbm>>) dst(%dma_wait3A_28 : memref<640x128xf32, #tpu.memory_space<vmem_shared>>)
        tpu.yield
      }) : () -> ()
    } else {
    }
    %barrier3A = arith.constant 0 : index
    tpu.barrier barrier_id(%barrier3A)
    %eq3A_7 = arith.constant 0 : i32
    %eq3A_8 = arith.cmpi eq, %arg0, %eq3A_7 : i32
    %convert_element_type3A_9 = arith.extui %eq3A_8 : i1 to i32
    %cond3A_10 = arith.constant 0 : i32
    %cond3A_11 = arith.cmpi ne, %convert_element_type3A_9, %cond3A_10 : i32
    scf.if %cond3A_11 {
      "tpu.region"() ({
        %run_scoped3A = tpu.sem_alloc : memref<!tpu.dma_semaphore, #tpu.memory_space<semaphore_mem>>
        %dma_start3A = arith.constant 0 : i32
        %dma_start3A_26 = arith.constant 0 : i32
        %dma_start3A_27 = tpu.memref_slice %arg9[%dma_start3A, %dma_start3A_26] : memref<79x128xi32, #tpu.memory_space<vmem>> -> memref<79x128xi32, #tpu.memory_space<vmem>>
        %dma_start3A_28 = arith.constant 0 : i32
        %dma_start3A_29 = arith.constant 0 : i32
        %dma_start3A_30 = tpu.memref_slice %arg2[%arg1, %dma_start3A_28, %dma_start3A_29] : memref<16x79x128xi32, #tpu.memory_space<hbm>> -> memref<1x79x128xi32, #tpu.memory_space<hbm>>
        %dma_start3A_31 = tpu.memref_squeeze %dma_start3A_30 : memref<1x79x128xi32, #tpu.memory_space<hbm>> -> memref<79x128xi32, #tpu.memory_space<hbm>>
        %dma_start3A_32 = arith.constant 0 : i32
        %dma_start3A_33 = arith.constant 0 : i32
        %dma_start3A_34 = tpu.memref_slice %arg9[%dma_start3A_32, %dma_start3A_33] : memref<79x128xi32, #tpu.memory_space<vmem>> -> memref<79x128xi32, #tpu.memory_space<vmem>>
        %dma_start3A_35 = arith.constant 0 : i32
        %dma_start3A_36 = arith.constant 0 : i32
        %dma_start3A_37 = tpu.memref_slice %arg2[%arg1, %dma_start3A_35, %dma_start3A_36] : memref<16x79x128xi32, #tpu.memory_space<hbm>> -> memref<1x79x128xi32, #tpu.memory_space<hbm>>
        %dma_start3A_38 = tpu.memref_squeeze %dma_start3A_37 : memref<1x79x128xi32, #tpu.memory_space<hbm>> -> memref<79x128xi32, #tpu.memory_space<hbm>>
        tpu.enqueue_dma source(%dma_start3A_38 : memref<79x128xi32, #tpu.memory_space<hbm>>) target(%dma_start3A_34 : memref<79x128xi32, #tpu.memory_space<vmem>>) target_semaphore(%run_scoped3A : memref<!tpu.dma_semaphore, #tpu.memory_space<semaphore_mem>>)
        %dma_wait3A = arith.constant 0 : i32
        %dma_wait3A_39 = arith.constant 0 : i32
        %dma_wait3A_40 = tpu.memref_slice %arg9[%dma_wait3A, %dma_wait3A_39] : memref<79x128xi32, #tpu.memory_space<vmem>> -> memref<79x128xi32, #tpu.memory_space<vmem>>
        %dma_wait3A_41 = arith.constant 0 : i32
        %dma_wait3A_42 = arith.constant 0 : i32
        %dma_wait3A_43 = tpu.memref_slice %arg2[%arg1, %dma_wait3A_41, %dma_wait3A_42] : memref<16x79x128xi32, #tpu.memory_space<hbm>> -> memref<1x79x128xi32, #tpu.memory_space<hbm>>
        %dma_wait3A_44 = tpu.memref_squeeze %dma_wait3A_43 : memref<1x79x128xi32, #tpu.memory_space<hbm>> -> memref<79x128xi32, #tpu.memory_space<hbm>>
        %dma_wait3A_45 = arith.constant 0 : i32
        %dma_wait3A_46 = arith.constant 0 : i32
        %dma_wait3A_47 = tpu.memref_slice %arg9[%dma_wait3A_45, %dma_wait3A_46] : memref<79x128xi32, #tpu.memory_space<vmem>> -> memref<79x128xi32, #tpu.memory_space<vmem>>
        %dma_wait3A_48 = arith.constant 0 : i32
        %dma_wait3A_49 = arith.constant 0 : i32
        %dma_wait3A_50 = tpu.memref_slice %arg2[%arg1, %dma_wait3A_48, %dma_wait3A_49] : memref<16x79x128xi32, #tpu.memory_space<hbm>> -> memref<1x79x128xi32, #tpu.memory_space<hbm>>
        %dma_wait3A_51 = tpu.memref_squeeze %dma_wait3A_50 : memref<1x79x128xi32, #tpu.memory_space<hbm>> -> memref<79x128xi32, #tpu.memory_space<hbm>>
        tpu.wait_dma2 semaphore(%run_scoped3A : memref<!tpu.dma_semaphore, #tpu.memory_space<semaphore_mem>>) src(%dma_wait3A_51 : memref<79x128xi32, #tpu.memory_space<hbm>>) dst(%dma_wait3A_47 : memref<79x128xi32, #tpu.memory_space<vmem>>)
        tpu.yield
      }) : () -> ()
      "tpu.region"() ({
        %run_scoped3A = tpu.sem_alloc : memref<!tpu.dma_semaphore, #tpu.memory_space<semaphore_mem>>
        %dma_start3A = arith.constant 0 : i32
        %dma_start3A_26 = arith.constant 0 : i32
        %dma_start3A_27 = tpu.memref_slice %arg10[%dma_start3A, %dma_start3A_26] : memref<79x128xi32, #tpu.memory_space<vmem>> -> memref<79x128xi32, #tpu.memory_space<vmem>>
        %dma_start3A_28 = arith.constant 0 : i32
        %dma_start3A_29 = arith.constant 0 : i32
        %dma_start3A_30 = tpu.memref_slice %arg3[%arg1, %dma_start3A_28, %dma_start3A_29] : memref<16x79x128xi32, #tpu.memory_space<hbm>> -> memref<1x79x128xi32, #tpu.memory_space<hbm>>
        %dma_start3A_31 = tpu.memref_squeeze %dma_start3A_30 : memref<1x79x128xi32, #tpu.memory_space<hbm>> -> memref<79x128xi32, #tpu.memory_space<hbm>>
        %dma_start3A_32 = arith.constant 0 : i32
        %dma_start3A_33 = arith.constant 0 : i32
        %dma_start3A_34 = tpu.memref_slice %arg10[%dma_start3A_32, %dma_start3A_33] : memref<79x128xi32, #tpu.memory_space<vmem>> -> memref<79x128xi32, #tpu.memory_space<vmem>>
        %dma_start3A_35 = arith.constant 0 : i32
        %dma_start3A_36 = arith.constant 0 : i32
        %dma_start3A_37 = tpu.memref_slice %arg3[%arg1, %dma_start3A_35, %dma_start3A_36] : memref<16x79x128xi32, #tpu.memory_space<hbm>> -> memref<1x79x128xi32, #tpu.memory_space<hbm>>
        %dma_start3A_38 = tpu.memref_squeeze %dma_start3A_37 : memref<1x79x128xi32, #tpu.memory_space<hbm>> -> memref<79x128xi32, #tpu.memory_space<hbm>>
        tpu.enqueue_dma source(%dma_start3A_38 : memref<79x128xi32, #tpu.memory_space<hbm>>) target(%dma_start3A_34 : memref<79x128xi32, #tpu.memory_space<vmem>>) target_semaphore(%run_scoped3A : memref<!tpu.dma_semaphore, #tpu.memory_space<semaphore_mem>>)
        %dma_wait3A = arith.constant 0 : i32
        %dma_wait3A_39 = arith.constant 0 : i32
        %dma_wait3A_40 = tpu.memref_slice %arg10[%dma_wait3A, %dma_wait3A_39] : memref<79x128xi32, #tpu.memory_space<vmem>> -> memref<79x128xi32, #tpu.memory_space<vmem>>
        %dma_wait3A_41 = arith.constant 0 : i32
        %dma_wait3A_42 = arith.constant 0 : i32
        %dma_wait3A_43 = tpu.memref_slice %arg3[%arg1, %dma_wait3A_41, %dma_wait3A_42] : memref<16x79x128xi32, #tpu.memory_space<hbm>> -> memref<1x79x128xi32, #tpu.memory_space<hbm>>
        %dma_wait3A_44 = tpu.memref_squeeze %dma_wait3A_43 : memref<1x79x128xi32, #tpu.memory_space<hbm>> -> memref<79x128xi32, #tpu.memory_space<hbm>>
        %dma_wait3A_45 = arith.constant 0 : i32
        %dma_wait3A_46 = arith.constant 0 : i32
        %dma_wait3A_47 = tpu.memref_slice %arg10[%dma_wait3A_45, %dma_wait3A_46] : memref<79x128xi32, #tpu.memory_space<vmem>> -> memref<79x128xi32, #tpu.memory_space<vmem>>
        %dma_wait3A_48 = arith.constant 0 : i32
        %dma_wait3A_49 = arith.constant 0 : i32
        %dma_wait3A_50 = tpu.memref_slice %arg3[%arg1, %dma_wait3A_48, %dma_wait3A_49] : memref<16x79x128xi32, #tpu.memory_space<hbm>> -> memref<1x79x128xi32, #tpu.memory_space<hbm>>
        %dma_wait3A_51 = tpu.memref_squeeze %dma_wait3A_50 : memref<1x79x128xi32, #tpu.memory_space<hbm>> -> memref<79x128xi32, #tpu.memory_space<hbm>>
        tpu.wait_dma2 semaphore(%run_scoped3A : memref<!tpu.dma_semaphore, #tpu.memory_space<semaphore_mem>>) src(%dma_wait3A_51 : memref<79x128xi32, #tpu.memory_space<hbm>>) dst(%dma_wait3A_47 : memref<79x128xi32, #tpu.memory_space<vmem>>)
        tpu.yield
      }) : () -> ()
      %scan3A = arith.constant 0 : i32
      %scan3A_21 = arith.constant 0 : i32
      %scan3A_22 = arith.constant 79 : i32
      %scan3A_23 = arith.addi %scan3A_21, %scan3A_22 : i32
      %scan3A_24 = arith.constant 1 : i32
      scf.for %scan3A_26 = %scan3A_21 to %scan3A_23 step %scan3A_24  : i32 {
        "tpu.region"() ({
          %run_scoped3A = tpu.sem_alloc : memref<!tpu.dma_semaphore, #tpu.memory_space<semaphore_mem>>
          %dma_start3A = arith.constant 0 : i32
          %dma_start3A_27 = tpu.memref_slice %arg9[%scan3A_26, %dma_start3A] : memref<79x128xi32, #tpu.memory_space<vmem>> -> memref<1x128xi32, #tpu.memory_space<vmem>>
          %dma_start3A_28 = tpu.memref_squeeze %dma_start3A_27 : memref<1x128xi32, #tpu.memory_space<vmem>> -> memref<128xi32, #tpu.memory_space<vmem>>
          %dma_start3A_29 = arith.constant 0 : i32
          %dma_start3A_30 = arith.constant 0 : i32
          %dma_start3A_31 = tpu.memref_slice %arg6[%dma_start3A_29, %dma_start3A_30] : memref<10240x128xf32, #tpu.memory_space<hbm>> -> memref<10240x128xf32, #tpu.memory_space<hbm>>
          tpu.enqueue_indirect_dma source(%dma_start3A_31 : memref<10240x128xf32, #tpu.memory_space<hbm>>) target(%arg11 : memref<128x128xf32, #tpu.memory_space<vmem>>) offsets(%dma_start3A_28 : memref<128xi32, #tpu.memory_space<vmem>>) semaphore(%run_scoped3A : memref<!tpu.dma_semaphore, #tpu.memory_space<semaphore_mem>>)
          %dma_wait3A = arith.constant 0 : i32
          %dma_wait3A_32 = tpu.memref_slice %arg9[%scan3A_26, %dma_wait3A] : memref<79x128xi32, #tpu.memory_space<vmem>> -> memref<1x128xi32, #tpu.memory_space<vmem>>
          %dma_wait3A_33 = tpu.memref_squeeze %dma_wait3A_32 : memref<1x128xi32, #tpu.memory_space<vmem>> -> memref<128xi32, #tpu.memory_space<vmem>>
          %dma_wait3A_34 = arith.constant 0 : i32
          %dma_wait3A_35 = arith.constant 0 : i32
          %dma_wait3A_36 = tpu.memref_slice %arg6[%dma_wait3A_34, %dma_wait3A_35] : memref<10240x128xf32, #tpu.memory_space<hbm>> -> memref<10240x128xf32, #tpu.memory_space<hbm>>
          tpu.wait_indirect_dma semaphore(%run_scoped3A : memref<!tpu.dma_semaphore, #tpu.memory_space<semaphore_mem>>) src(%dma_wait3A_36 : memref<10240x128xf32, #tpu.memory_space<hbm>>) dst(%arg11 : memref<128x128xf32, #tpu.memory_space<vmem>>)
          tpu.yield
        }) : () -> ()
        "tpu.region"() ({
          %run_scoped3A = tpu.sem_alloc : memref<!tpu.dma_semaphore, #tpu.memory_space<semaphore_mem>>
          %dma_start3A = arith.constant 0 : i32
          %dma_start3A_27 = tpu.memref_slice %arg10[%scan3A_26, %dma_start3A] : memref<79x128xi32, #tpu.memory_space<vmem>> -> memref<1x128xi32, #tpu.memory_space<vmem>>
          %dma_start3A_28 = tpu.memref_squeeze %dma_start3A_27 : memref<1x128xi32, #tpu.memory_space<vmem>> -> memref<128xi32, #tpu.memory_space<vmem>>
          %dma_start3A_29 = arith.constant 0 : i32
          %dma_start3A_30 = arith.constant 0 : i32
          %dma_start3A_31 = tpu.memref_slice %arg12[%dma_start3A_29, %dma_start3A_30] : memref<10240x128xf32, #tpu.memory_space<vmem_shared>> -> memref<10240x128xf32, #tpu.memory_space<vmem_shared>>
          tpu.enqueue_indirect_dma source(%arg11 : memref<128x128xf32, #tpu.memory_space<vmem>>) target(%dma_start3A_31 : memref<10240x128xf32, #tpu.memory_space<vmem_shared>>) offsets(%dma_start3A_28 : memref<128xi32, #tpu.memory_space<vmem>>) semaphore(%run_scoped3A : memref<!tpu.dma_semaphore, #tpu.memory_space<semaphore_mem>>) {add = true}
          %dma_wait3A = arith.constant 0 : i32
          %dma_wait3A_32 = tpu.memref_slice %arg10[%scan3A_26, %dma_wait3A] : memref<79x128xi32, #tpu.memory_space<vmem>> -> memref<1x128xi32, #tpu.memory_space<vmem>>
          %dma_wait3A_33 = tpu.memref_squeeze %dma_wait3A_32 : memref<1x128xi32, #tpu.memory_space<vmem>> -> memref<128xi32, #tpu.memory_space<vmem>>
          %dma_wait3A_34 = arith.constant 0 : i32
          %dma_wait3A_35 = arith.constant 0 : i32
          %dma_wait3A_36 = tpu.memref_slice %arg12[%dma_wait3A_34, %dma_wait3A_35] : memref<10240x128xf32, #tpu.memory_space<vmem_shared>> -> memref<10240x128xf32, #tpu.memory_space<vmem_shared>>
          tpu.wait_indirect_dma semaphore(%run_scoped3A : memref<!tpu.dma_semaphore, #tpu.memory_space<semaphore_mem>>) src(%arg11 : memref<128x128xf32, #tpu.memory_space<vmem>>) dst(%dma_wait3A_36 : memref<10240x128xf32, #tpu.memory_space<vmem_shared>>)
          tpu.yield
        }) : () -> ()
      }
      %scan3A_25 = arith.constant 79 : i32
    } else {
    }
    %eq3A_12 = arith.constant 1 : i32
    %eq3A_13 = arith.cmpi eq, %arg0, %eq3A_12 : i32
    %convert_element_type3A_14 = arith.extui %eq3A_13 : i1 to i32
    %cond3A_15 = arith.constant 0 : i32
    %cond3A_16 = arith.cmpi ne, %convert_element_type3A_14, %cond3A_15 : i32
    scf.if %cond3A_16 {
      "tpu.region"() ({
        %run_scoped3A = tpu.sem_alloc : memref<!tpu.dma_semaphore, #tpu.memory_space<semaphore_mem>>
        %dma_start3A = arith.constant 0 : i32
        %dma_start3A_26 = arith.constant 0 : i32
        %dma_start3A_27 = tpu.memref_slice %arg9[%dma_start3A, %dma_start3A_26] : memref<79x128xi32, #tpu.memory_space<vmem>> -> memref<79x128xi32, #tpu.memory_space<vmem>>
        %dma_start3A_28 = arith.constant 0 : i32
        %dma_start3A_29 = arith.constant 0 : i32
        %dma_start3A_30 = tpu.memref_slice %arg4[%arg1, %dma_start3A_28, %dma_start3A_29] : memref<16x79x128xi32, #tpu.memory_space<hbm>> -> memref<1x79x128xi32, #tpu.memory_space<hbm>>
        %dma_start3A_31 = tpu.memref_squeeze %dma_start3A_30 : memref<1x79x128xi32, #tpu.memory_space<hbm>> -> memref<79x128xi32, #tpu.memory_space<hbm>>
        %dma_start3A_32 = arith.constant 0 : i32
        %dma_start3A_33 = arith.constant 0 : i32
        %dma_start3A_34 = tpu.memref_slice %arg9[%dma_start3A_32, %dma_start3A_33] : memref<79x128xi32, #tpu.memory_space<vmem>> -> memref<79x128xi32, #tpu.memory_space<vmem>>
        %dma_start3A_35 = arith.constant 0 : i32
        %dma_start3A_36 = arith.constant 0 : i32
        %dma_start3A_37 = tpu.memref_slice %arg4[%arg1, %dma_start3A_35, %dma_start3A_36] : memref<16x79x128xi32, #tpu.memory_space<hbm>> -> memref<1x79x128xi32, #tpu.memory_space<hbm>>
        %dma_start3A_38 = tpu.memref_squeeze %dma_start3A_37 : memref<1x79x128xi32, #tpu.memory_space<hbm>> -> memref<79x128xi32, #tpu.memory_space<hbm>>
        tpu.enqueue_dma source(%dma_start3A_38 : memref<79x128xi32, #tpu.memory_space<hbm>>) target(%dma_start3A_34 : memref<79x128xi32, #tpu.memory_space<vmem>>) target_semaphore(%run_scoped3A : memref<!tpu.dma_semaphore, #tpu.memory_space<semaphore_mem>>)
        %dma_wait3A = arith.constant 0 : i32
        %dma_wait3A_39 = arith.constant 0 : i32
        %dma_wait3A_40 = tpu.memref_slice %arg9[%dma_wait3A, %dma_wait3A_39] : memref<79x128xi32, #tpu.memory_space<vmem>> -> memref<79x128xi32, #tpu.memory_space<vmem>>
        %dma_wait3A_41 = arith.constant 0 : i32
        %dma_wait3A_42 = arith.constant 0 : i32
        %dma_wait3A_43 = tpu.memref_slice %arg4[%arg1, %dma_wait3A_41, %dma_wait3A_42] : memref<16x79x128xi32, #tpu.memory_space<hbm>> -> memref<1x79x128xi32, #tpu.memory_space<hbm>>
        %dma_wait3A_44 = tpu.memref_squeeze %dma_wait3A_43 : memref<1x79x128xi32, #tpu.memory_space<hbm>> -> memref<79x128xi32, #tpu.memory_space<hbm>>
        %dma_wait3A_45 = arith.constant 0 : i32
        %dma_wait3A_46 = arith.constant 0 : i32
        %dma_wait3A_47 = tpu.memref_slice %arg9[%dma_wait3A_45, %dma_wait3A_46] : memref<79x128xi32, #tpu.memory_space<vmem>> -> memref<79x128xi32, #tpu.memory_space<vmem>>
        %dma_wait3A_48 = arith.constant 0 : i32
        %dma_wait3A_49 = arith.constant 0 : i32
        %dma_wait3A_50 = tpu.memref_slice %arg4[%arg1, %dma_wait3A_48, %dma_wait3A_49] : memref<16x79x128xi32, #tpu.memory_space<hbm>> -> memref<1x79x128xi32, #tpu.memory_space<hbm>>
        %dma_wait3A_51 = tpu.memref_squeeze %dma_wait3A_50 : memref<1x79x128xi32, #tpu.memory_space<hbm>> -> memref<79x128xi32, #tpu.memory_space<hbm>>
        tpu.wait_dma2 semaphore(%run_scoped3A : memref<!tpu.dma_semaphore, #tpu.memory_space<semaphore_mem>>) src(%dma_wait3A_51 : memref<79x128xi32, #tpu.memory_space<hbm>>) dst(%dma_wait3A_47 : memref<79x128xi32, #tpu.memory_space<vmem>>)
        tpu.yield
      }) : () -> ()
      "tpu.region"() ({
        %run_scoped3A = tpu.sem_alloc : memref<!tpu.dma_semaphore, #tpu.memory_space<semaphore_mem>>
        %dma_start3A = arith.constant 0 : i32
        %dma_start3A_26 = arith.constant 0 : i32
        %dma_start3A_27 = tpu.memref_slice %arg10[%dma_start3A, %dma_start3A_26] : memref<79x128xi32, #tpu.memory_space<vmem>> -> memref<79x128xi32, #tpu.memory_space<vmem>>
        %dma_start3A_28 = arith.constant 0 : i32
        %dma_start3A_29 = arith.constant 0 : i32
        %dma_start3A_30 = tpu.memref_slice %arg5[%arg1, %dma_start3A_28, %dma_start3A_29] : memref<16x79x128xi32, #tpu.memory_space<hbm>> -> memref<1x79x128xi32, #tpu.memory_space<hbm>>
        %dma_start3A_31 = tpu.memref_squeeze %dma_start3A_30 : memref<1x79x128xi32, #tpu.memory_space<hbm>> -> memref<79x128xi32, #tpu.memory_space<hbm>>
        %dma_start3A_32 = arith.constant 0 : i32
        %dma_start3A_33 = arith.constant 0 : i32
        %dma_start3A_34 = tpu.memref_slice %arg10[%dma_start3A_32, %dma_start3A_33] : memref<79x128xi32, #tpu.memory_space<vmem>> -> memref<79x128xi32, #tpu.memory_space<vmem>>
        %dma_start3A_35 = arith.constant 0 : i32
        %dma_start3A_36 = arith.constant 0 : i32
        %dma_start3A_37 = tpu.memref_slice %arg5[%arg1, %dma_start3A_35, %dma_start3A_36] : memref<16x79x128xi32, #tpu.memory_space<hbm>> -> memref<1x79x128xi32, #tpu.memory_space<hbm>>
        %dma_start3A_38 = tpu.memref_squeeze %dma_start3A_37 : memref<1x79x128xi32, #tpu.memory_space<hbm>> -> memref<79x128xi32, #tpu.memory_space<hbm>>
        tpu.enqueue_dma source(%dma_start3A_38 : memref<79x128xi32, #tpu.memory_space<hbm>>) target(%dma_start3A_34 : memref<79x128xi32, #tpu.memory_space<vmem>>) target_semaphore(%run_scoped3A : memref<!tpu.dma_semaphore, #tpu.memory_space<semaphore_mem>>)
        %dma_wait3A = arith.constant 0 : i32
        %dma_wait3A_39 = arith.constant 0 : i32
        %dma_wait3A_40 = tpu.memref_slice %arg10[%dma_wait3A, %dma_wait3A_39] : memref<79x128xi32, #tpu.memory_space<vmem>> -> memref<79x128xi32, #tpu.memory_space<vmem>>
        %dma_wait3A_41 = arith.constant 0 : i32
        %dma_wait3A_42 = arith.constant 0 : i32
        %dma_wait3A_43 = tpu.memref_slice %arg5[%arg1, %dma_wait3A_41, %dma_wait3A_42] : memref<16x79x128xi32, #tpu.memory_space<hbm>> -> memref<1x79x128xi32, #tpu.memory_space<hbm>>
        %dma_wait3A_44 = tpu.memref_squeeze %dma_wait3A_43 : memref<1x79x128xi32, #tpu.memory_space<hbm>> -> memref<79x128xi32, #tpu.memory_space<hbm>>
        %dma_wait3A_45 = arith.constant 0 : i32
        %dma_wait3A_46 = arith.constant 0 : i32
        %dma_wait3A_47 = tpu.memref_slice %arg10[%dma_wait3A_45, %dma_wait3A_46] : memref<79x128xi32, #tpu.memory_space<vmem>> -> memref<79x128xi32, #tpu.memory_space<vmem>>
        %dma_wait3A_48 = arith.constant 0 : i32
        %dma_wait3A_49 = arith.constant 0 : i32
        %dma_wait3A_50 = tpu.memref_slice %arg5[%arg1, %dma_wait3A_48, %dma_wait3A_49] : memref<16x79x128xi32, #tpu.memory_space<hbm>> -> memref<1x79x128xi32, #tpu.memory_space<hbm>>
        %dma_wait3A_51 = tpu.memref_squeeze %dma_wait3A_50 : memref<1x79x128xi32, #tpu.memory_space<hbm>> -> memref<79x128xi32, #tpu.memory_space<hbm>>
        tpu.wait_dma2 semaphore(%run_scoped3A : memref<!tpu.dma_semaphore, #tpu.memory_space<semaphore_mem>>) src(%dma_wait3A_51 : memref<79x128xi32, #tpu.memory_space<hbm>>) dst(%dma_wait3A_47 : memref<79x128xi32, #tpu.memory_space<vmem>>)
        tpu.yield
      }) : () -> ()
      %scan3A = arith.constant 0 : i32
      %scan3A_21 = arith.constant 0 : i32
      %scan3A_22 = arith.constant 79 : i32
      %scan3A_23 = arith.addi %scan3A_21, %scan3A_22 : i32
      %scan3A_24 = arith.constant 1 : i32
      scf.for %scan3A_26 = %scan3A_21 to %scan3A_23 step %scan3A_24  : i32 {
        "tpu.region"() ({
          %run_scoped3A = tpu.sem_alloc : memref<!tpu.dma_semaphore, #tpu.memory_space<semaphore_mem>>
          %dma_start3A = arith.constant 0 : i32
          %dma_start3A_27 = tpu.memref_slice %arg9[%scan3A_26, %dma_start3A] : memref<79x128xi32, #tpu.memory_space<vmem>> -> memref<1x128xi32, #tpu.memory_space<vmem>>
          %dma_start3A_28 = tpu.memref_squeeze %dma_start3A_27 : memref<1x128xi32, #tpu.memory_space<vmem>> -> memref<128xi32, #tpu.memory_space<vmem>>
          %dma_start3A_29 = arith.constant 0 : i32
          %dma_start3A_30 = arith.constant 0 : i32
          %dma_start3A_31 = tpu.memref_slice %arg6[%dma_start3A_29, %dma_start3A_30] : memref<10240x128xf32, #tpu.memory_space<hbm>> -> memref<10240x128xf32, #tpu.memory_space<hbm>>
          tpu.enqueue_indirect_dma source(%dma_start3A_31 : memref<10240x128xf32, #tpu.memory_space<hbm>>) target(%arg11 : memref<128x128xf32, #tpu.memory_space<vmem>>) offsets(%dma_start3A_28 : memref<128xi32, #tpu.memory_space<vmem>>) semaphore(%run_scoped3A : memref<!tpu.dma_semaphore, #tpu.memory_space<semaphore_mem>>)
          %dma_wait3A = arith.constant 0 : i32
          %dma_wait3A_32 = tpu.memref_slice %arg9[%scan3A_26, %dma_wait3A] : memref<79x128xi32, #tpu.memory_space<vmem>> -> memref<1x128xi32, #tpu.memory_space<vmem>>
          %dma_wait3A_33 = tpu.memref_squeeze %dma_wait3A_32 : memref<1x128xi32, #tpu.memory_space<vmem>> -> memref<128xi32, #tpu.memory_space<vmem>>
          %dma_wait3A_34 = arith.constant 0 : i32
          %dma_wait3A_35 = arith.constant 0 : i32
          %dma_wait3A_36 = tpu.memref_slice %arg6[%dma_wait3A_34, %dma_wait3A_35] : memref<10240x128xf32, #tpu.memory_space<hbm>> -> memref<10240x128xf32, #tpu.memory_space<hbm>>
          tpu.wait_indirect_dma semaphore(%run_scoped3A : memref<!tpu.dma_semaphore, #tpu.memory_space<semaphore_mem>>) src(%dma_wait3A_36 : memref<10240x128xf32, #tpu.memory_space<hbm>>) dst(%arg11 : memref<128x128xf32, #tpu.memory_space<vmem>>)
          tpu.yield
        }) : () -> ()
        "tpu.region"() ({
          %run_scoped3A = tpu.sem_alloc : memref<!tpu.dma_semaphore, #tpu.memory_space<semaphore_mem>>
          %dma_start3A = arith.constant 0 : i32
          %dma_start3A_27 = tpu.memref_slice %arg10[%scan3A_26, %dma_start3A] : memref<79x128xi32, #tpu.memory_space<vmem>> -> memref<1x128xi32, #tpu.memory_space<vmem>>
          %dma_start3A_28 = tpu.memref_squeeze %dma_start3A_27 : memref<1x128xi32, #tpu.memory_space<vmem>> -> memref<128xi32, #tpu.memory_space<vmem>>
          %dma_start3A_29 = arith.constant 0 : i32
          %dma_start3A_30 = arith.constant 0 : i32
          %dma_start3A_31 = tpu.memref_slice %arg12[%dma_start3A_29, %dma_start3A_30] : memref<10240x128xf32, #tpu.memory_space<vmem_shared>> -> memref<10240x128xf32, #tpu.memory_space<vmem_shared>>
          tpu.enqueue_indirect_dma source(%arg11 : memref<128x128xf32, #tpu.memory_space<vmem>>) target(%dma_start3A_31 : memref<10240x128xf32, #tpu.memory_space<vmem_shared>>) offsets(%dma_start3A_28 : memref<128xi32, #tpu.memory_space<vmem>>) semaphore(%run_scoped3A : memref<!tpu.dma_semaphore, #tpu.memory_space<semaphore_mem>>) {add = true}
          %dma_wait3A = arith.constant 0 : i32
          %dma_wait3A_32 = tpu.memref_slice %arg10[%scan3A_26, %dma_wait3A] : memref<79x128xi32, #tpu.memory_space<vmem>> -> memref<1x128xi32, #tpu.memory_space<vmem>>
          %dma_wait3A_33 = tpu.memref_squeeze %dma_wait3A_32 : memref<1x128xi32, #tpu.memory_space<vmem>> -> memref<128xi32, #tpu.memory_space<vmem>>
          %dma_wait3A_34 = arith.constant 0 : i32
          %dma_wait3A_35 = arith.constant 0 : i32
          %dma_wait3A_36 = tpu.memref_slice %arg12[%dma_wait3A_34, %dma_wait3A_35] : memref<10240x128xf32, #tpu.memory_space<vmem_shared>> -> memref<10240x128xf32, #tpu.memory_space<vmem_shared>>
          tpu.wait_indirect_dma semaphore(%run_scoped3A : memref<!tpu.dma_semaphore, #tpu.memory_space<semaphore_mem>>) src(%arg11 : memref<128x128xf32, #tpu.memory_space<vmem>>) dst(%dma_wait3A_36 : memref<10240x128xf32, #tpu.memory_space<vmem_shared>>)
          tpu.yield
        }) : () -> ()
      }
      %scan3A_25 = arith.constant 79 : i32
    } else {
    }
    %barrier3A_17 = arith.constant 0 : index
    tpu.barrier barrier_id(%barrier3A_17)
    %mul3A = arith.constant 640 : i32
    %mul3A_18 = arith.muli %arg1, %mul3A : i32
    %mul3A_19 = arith.constant 640 : i32
    %mul3A_20 = arith.muli %arg1, %mul3A_19 : i32
    "tpu.region"() ({
      %run_scoped3A = tpu.sem_alloc : memref<!tpu.dma_semaphore, #tpu.memory_space<semaphore_mem>>
      %dma_start3A = arith.constant 0 : i32
      %dma_start3A_21 = tpu.memref_slice %arg8[%arg0, %mul3A_20, %dma_start3A] : memref<2x10240x128xf32, #tpu.memory_space<hbm>> -> memref<1x640x128xf32, #tpu.memory_space<hbm>>
      %dma_start3A_22 = tpu.memref_squeeze %dma_start3A_21 : memref<1x640x128xf32, #tpu.memory_space<hbm>> -> memref<640x128xf32, #tpu.memory_space<hbm>>
      %dma_start3A_23 = arith.constant 0 : i32
      %dma_start3A_24 = tpu.memref_slice %arg12[%mul3A_18, %dma_start3A_23] : memref<10240x128xf32, #tpu.memory_space<vmem_shared>> -> memref<640x128xf32, #tpu.memory_space<vmem_shared>>
      tpu.enqueue_dma source(%dma_start3A_24 : memref<640x128xf32, #tpu.memory_space<vmem_shared>>) target(%dma_start3A_22 : memref<640x128xf32, #tpu.memory_space<hbm>>) target_semaphore(%run_scoped3A : memref<!tpu.dma_semaphore, #tpu.memory_space<semaphore_mem>>)
      %dma_wait3A = arith.constant 0 : i32
      %dma_wait3A_25 = tpu.memref_slice %arg8[%arg0, %mul3A_20, %dma_wait3A] : memref<2x10240x128xf32, #tpu.memory_space<hbm>> -> memref<1x640x128xf32, #tpu.memory_space<hbm>>
      %dma_wait3A_26 = tpu.memref_squeeze %dma_wait3A_25 : memref<1x640x128xf32, #tpu.memory_space<hbm>> -> memref<640x128xf32, #tpu.memory_space<hbm>>
      %dma_wait3A_27 = arith.constant 0 : i32
      %dma_wait3A_28 = tpu.memref_slice %arg12[%mul3A_18, %dma_wait3A_27] : memref<10240x128xf32, #tpu.memory_space<vmem_shared>> -> memref<640x128xf32, #tpu.memory_space<vmem_shared>>
      tpu.wait_dma2 semaphore(%run_scoped3A : memref<!tpu.dma_semaphore, #tpu.memory_space<semaphore_mem>>) src(%dma_wait3A_28 : memref<640x128xf32, #tpu.memory_space<vmem_shared>>) dst(%dma_wait3A_26 : memref<640x128xf32, #tpu.memory_space<hbm>>)
      tpu.yield
    }) : () -> ()
    return
  }
}

module attributes {stable_mosaic.version = 14 : i64} {
  func.func @_tc_prep_body(%arg0: i32, %arg1: memref<1x1280x128xf32, #tpu.memory_space<vmem>>, %arg2: memref<1x1280x128xf32, #tpu.memory_space<vmem>>, %arg3: memref<1280x128xf32, #tpu.memory_space<vmem>>, %arg4: memref<1280x128xf32, #tpu.memory_space<vmem>>, %arg5: memref<1280x16xf32, #tpu.memory_space<vmem>>) attributes {dimension_semantics = [#tpu.dimension_semantics<arbitrary>], iteration_bounds = array<i64: 8>, scalar_prefetch = 0 : i64, scratch_operands = 0 : i64, tpu.core_type = #tpu.core_type<tc>, window_params = [{transform_indices = @transform_0, window_bounds = array<i64: 1, 1280, 128>}, {transform_indices = @transform_1, window_bounds = array<i64: 1, 1280, 128>}, {transform_indices = @transform_2, window_bounds = array<i64: 1280, 128>}, {transform_indices = @transform_3, window_bounds = array<i64: 1280, 128>}, {transform_indices = @transform_4, window_bounds = array<i64: 1280, 16>}]} {
    %get3A = arith.constant 0 : index
    %get3A_0 = arith.constant 0 : index
    %get3A_1 = arith.constant 0 : index
    %get3A_2 = vector.load %arg1[%get3A, %get3A_0, %get3A_1] : memref<1x1280x128xf32, #tpu.memory_space<vmem>>, vector<1x1280x128xf32>
    %get3A_3 = vector.shape_cast %get3A_2 : vector<1x1280x128xf32> to vector<1280x128xf32>
    %get3A_4 = arith.constant 0 : index
    %get3A_5 = arith.constant 0 : index
    %get3A_6 = arith.constant 0 : index
    %get3A_7 = vector.load %arg2[%get3A_4, %get3A_5, %get3A_6] : memref<1x1280x128xf32, #tpu.memory_space<vmem>>, vector<1x1280x128xf32>
    %get3A_8 = vector.shape_cast %get3A_7 : vector<1x1280x128xf32> to vector<1280x128xf32>
    %add3A = arith.addf %get3A_3, %get3A_8 : vector<1280x128xf32>
    %add3A_9 = arith.constant 1.000000e+00 : f32
    %add3A_10 = vector.broadcast %add3A_9 : f32 to vector<1280x128xf32>
    %add3A_11 = arith.addf %add3A, %add3A_10 : vector<1280x128xf32>
    %rsqrt3A = math.rsqrt %add3A_11 : vector<1280x128xf32>
    %slice3A = vector.extract_strided_slice %rsqrt3A {offsets = [0, 0], sizes = [1280, 16], strides = [1, 1]} : vector<1280x128xf32> to vector<1280x16xf32>
    %swap3A = arith.constant 0 : index
    %swap3A_12 = arith.constant 0 : index
    %swap3A_13 = vector.load %arg5[%swap3A, %swap3A_12] : memref<1280x16xf32, #tpu.memory_space<vmem>>, vector<1280x16xf32>
    tpu.vector_store %arg5[%swap3A, %swap3A_12], %slice3A {strides = array<i32>} : memref<1280x16xf32, #tpu.memory_space<vmem>>, vector<1280x16xf32>,
    %get3A_14 = arith.constant 0 : index
    %get3A_15 = arith.constant 0 : index
    %get3A_16 = vector.load %arg3[%get3A_14, %get3A_15] : memref<1280x128xf32, #tpu.memory_space<vmem>>, vector<1280x128xf32>
    %mul3A = arith.mulf %get3A_16, %rsqrt3A : vector<1280x128xf32>
    %swap3A_17 = arith.constant 0 : index
    %swap3A_18 = arith.constant 0 : index
    %swap3A_19 = vector.load %arg4[%swap3A_17, %swap3A_18] : memref<1280x128xf32, #tpu.memory_space<vmem>>, vector<1280x128xf32>
    tpu.vector_store %arg4[%swap3A_17, %swap3A_18], %mul3A {strides = array<i32>} : memref<1280x128xf32, #tpu.memory_space<vmem>>, vector<1280x128xf32>,
    return
  }
  func.func @transform_0(%arg0: i32) -> (i32, i32, i32) {
    %c0_i32 = arith.constant 0 : i32
    %c0_i32_0 = arith.constant 0 : i32
    %c0_i32_1 = arith.constant 0 : i32
    return %c0_i32, %arg0, %c0_i32_0 : i32, i32, i32
  }
  func.func @transform_1(%arg0: i32) -> (i32, i32, i32) {
    %c1_i32 = arith.constant 1 : i32
    %c0_i32 = arith.constant 0 : i32
    %c0_i32_0 = arith.constant 0 : i32
    return %c1_i32, %arg0, %c0_i32 : i32, i32, i32
  }
  func.func @transform_2(%arg0: i32) -> (i32, i32) {
    %c0_i32 = arith.constant 0 : i32
    %c0_i32_0 = arith.constant 0 : i32
    return %arg0, %c0_i32 : i32, i32
  }
  func.func @transform_3(%arg0: i32) -> (i32, i32) {
    %c0_i32 = arith.constant 0 : i32
    %c0_i32_0 = arith.constant 0 : i32
    return %arg0, %c0_i32 : i32, i32
  }
  func.func @transform_4(%arg0: i32) -> (i32, i32) {
    %c0_i32 = arith.constant 0 : i32
    %c0_i32_0 = arith.constant 0 : i32
    return %arg0, %c0_i32 : i32, i32
  }
}

module attributes {stable_mosaic.version = 14 : i64} {
  func.func @_tc_mid_body(%arg0: i32, %arg1: memref<1x1280x128xf32, #tpu.memory_space<vmem>>, %arg2: memref<1x1280x128xf32, #tpu.memory_space<vmem>>, %arg3: memref<1280x16xf32, #tpu.memory_space<vmem>>, %arg4: memref<128x256xf32, #tpu.memory_space<vmem>>, %arg5: memref<1x256xf32, #tpu.memory_space<vmem>>, %arg6: memref<256x128xf32, #tpu.memory_space<vmem>>, %arg7: memref<1280x128xf32, #tpu.memory_space<vmem>>) attributes {dimension_semantics = [#tpu.dimension_semantics<arbitrary>], iteration_bounds = array<i64: 8>, scalar_prefetch = 0 : i64, scratch_operands = 0 : i64, tpu.core_type = #tpu.core_type<tc>, window_params = [{transform_indices = @transform_0, window_bounds = array<i64: 1, 1280, 128>}, {transform_indices = @transform_1, window_bounds = array<i64: 1, 1280, 128>}, {transform_indices = @transform_2, window_bounds = array<i64: 1280, 16>}, {pipeline_mode = #tpu.pipeline_mode<synchronous>, transform_indices = @transform_3, window_bounds = array<i64: 128, 256>}, {pipeline_mode = #tpu.pipeline_mode<synchronous>, transform_indices = @transform_4, window_bounds = array<i64: 1, 256>}, {pipeline_mode = #tpu.pipeline_mode<synchronous>, transform_indices = @transform_5, window_bounds = array<i64: 256, 128>}, {transform_indices = @transform_6, window_bounds = array<i64: 1280, 128>}]} {
    %get3A = arith.constant 0 : index
    %get3A_0 = arith.constant 0 : index
    %get3A_1 = vector.load %arg3[%get3A, %get3A_0] : memref<1280x16xf32, #tpu.memory_space<vmem>>, vector<1280x16xf32>
    %slice3A = vector.extract_strided_slice %get3A_1 {offsets = [0, 0], sizes = [1280, 1], strides = [1, 1]} : vector<1280x16xf32> to vector<1280x1xf32>
    %get3A_2 = arith.constant 0 : index
    %get3A_3 = arith.constant 0 : index
    %get3A_4 = arith.constant 0 : index
    %get3A_5 = vector.load %arg1[%get3A_2, %get3A_3, %get3A_4] : memref<1x1280x128xf32, #tpu.memory_space<vmem>>, vector<1x1280x128xf32>
    %get3A_6 = vector.shape_cast %get3A_5 : vector<1x1280x128xf32> to vector<1280x128xf32>
    %get3A_7 = arith.constant 0 : index
    %get3A_8 = arith.constant 0 : index
    %get3A_9 = arith.constant 0 : index
    %get3A_10 = vector.load %arg2[%get3A_7, %get3A_8, %get3A_9] : memref<1x1280x128xf32, #tpu.memory_space<vmem>>, vector<1x1280x128xf32>
    %get3A_11 = vector.shape_cast %get3A_10 : vector<1x1280x128xf32> to vector<1280x128xf32>
    %add3A = arith.addf %get3A_6, %get3A_11 : vector<1280x128xf32>
    %mul3A = vector.broadcast %slice3A : vector<1280x1xf32> to vector<1280x128xf32>
    %mul3A_12 = arith.mulf %add3A, %mul3A : vector<1280x128xf32>
    %get3A_13 = arith.constant 0 : index
    %get3A_14 = arith.constant 0 : index
    %get3A_15 = vector.load %arg4[%get3A_13, %get3A_14] : memref<128x256xf32, #tpu.memory_space<vmem>>, vector<128x256xf32>
    %dot_general3A = arith.constant dense<0.000000e+00> : vector<1280x256xf32>
    %dot_general3A_16 = tpu.matmul %mul3A_12, %get3A_15, %dot_general3A {dimension_numbers = #tpu.dot_dimension_numbers<[1], [0], [0], [1], [0, 0, 1, 1], [], []>, transpose_lhs_hint = false} : vector<1280x128xf32>, vector<128x256xf32>, vector<1280x256xf32> -> vector<1280x256xf32>
    %get3A_17 = arith.constant 0 : index
    %get3A_18 = arith.constant 0 : index
    %get3A_19 = vector.load %arg5[%get3A_17, %get3A_18] : memref<1x256xf32, #tpu.memory_space<vmem>>, vector<1x256xf32>
    %add3A_20 = vector.broadcast %get3A_19 : vector<1x256xf32> to vector<1280x256xf32>
    %add3A_21 = arith.addf %dot_general3A_16, %add3A_20 : vector<1280x256xf32>
    %max3A = arith.constant 0.000000e+00 : f32
    %max3A_22 = vector.broadcast %max3A : f32 to vector<1280x256xf32>
    %max3A_23 = arith.maximumf %add3A_21, %max3A_22 : vector<1280x256xf32>
    %get3A_24 = arith.constant 0 : index
    %get3A_25 = arith.constant 0 : index
    %get3A_26 = vector.load %arg6[%get3A_24, %get3A_25] : memref<256x128xf32, #tpu.memory_space<vmem>>, vector<256x128xf32>
    %dot_general3A_27 = arith.constant dense<0.000000e+00> : vector<1280x128xf32>
    %dot_general3A_28 = tpu.matmul %max3A_23, %get3A_26, %dot_general3A_27 {dimension_numbers = #tpu.dot_dimension_numbers<[1], [0], [0], [1], [0, 0, 1, 1], [], []>, transpose_lhs_hint = false} : vector<1280x256xf32>, vector<256x128xf32>, vector<1280x128xf32> -> vector<1280x128xf32>
    %mul3A_29 = vector.broadcast %slice3A : vector<1280x1xf32> to vector<1280x128xf32>
    %mul3A_30 = arith.mulf %dot_general3A_28, %mul3A_29 : vector<1280x128xf32>
    %swap3A = arith.constant 0 : index
    %swap3A_31 = arith.constant 0 : index
    %swap3A_32 = vector.load %arg7[%swap3A, %swap3A_31] : memref<1280x128xf32, #tpu.memory_space<vmem>>, vector<1280x128xf32>
    tpu.vector_store %arg7[%swap3A, %swap3A_31], %mul3A_30 {strides = array<i32>} : memref<1280x128xf32, #tpu.memory_space<vmem>>, vector<1280x128xf32>,
    return
  }
  func.func @transform_0(%arg0: i32) -> (i32, i32, i32) {
    %c0_i32 = arith.constant 0 : i32
    %c0_i32_0 = arith.constant 0 : i32
    %c0_i32_1 = arith.constant 0 : i32
    return %c0_i32, %arg0, %c0_i32_0 : i32, i32, i32
  }
  func.func @transform_1(%arg0: i32) -> (i32, i32, i32) {
    %c1_i32 = arith.constant 1 : i32
    %c0_i32 = arith.constant 0 : i32
    %c0_i32_0 = arith.constant 0 : i32
    return %c1_i32, %arg0, %c0_i32 : i32, i32, i32
  }
  func.func @transform_2(%arg0: i32) -> (i32, i32) {
    %c0_i32 = arith.constant 0 : i32
    %c0_i32_0 = arith.constant 0 : i32
    return %arg0, %c0_i32 : i32, i32
  }
  func.func @transform_3(%arg0: i32) -> (i32, i32) {
    %c0_i32 = arith.constant 0 : i32
    %c0_i32_0 = arith.constant 0 : i32
    %c0_i32_1 = arith.constant 0 : i32
    return %c0_i32, %c0_i32_0 : i32, i32
  }
  func.func @transform_4(%arg0: i32) -> (i32, i32) {
    %c0_i32 = arith.constant 0 : i32
    %c0_i32_0 = arith.constant 0 : i32
    %c0_i32_1 = arith.constant 0 : i32
    return %c0_i32, %c0_i32_0 : i32, i32
  }
  func.func @transform_5(%arg0: i32) -> (i32, i32) {
    %c0_i32 = arith.constant 0 : i32
    %c0_i32_0 = arith.constant 0 : i32
    %c0_i32_1 = arith.constant 0 : i32
    return %c0_i32, %c0_i32_0 : i32, i32
  }
  func.func @transform_6(%arg0: i32) -> (i32, i32) {
    %c0_i32 = arith.constant 0 : i32
    %c0_i32_0 = arith.constant 0 : i32
    return %arg0, %c0_i32 : i32, i32
  }
}

module attributes {stable_mosaic.version = 14 : i64} {
  func.func @_tc_fin_body(%arg0: i32, %arg1: memref<1x1280x128xf32, #tpu.memory_space<vmem>>, %arg2: memref<1x1280x128xf32, #tpu.memory_space<vmem>>, %arg3: memref<1280x16xf32, #tpu.memory_space<vmem>>, %arg4: memref<1x128xf32, #tpu.memory_space<vmem>>, %arg5: memref<1280x128xf32, #tpu.memory_space<vmem>>) attributes {dimension_semantics = [#tpu.dimension_semantics<arbitrary>], iteration_bounds = array<i64: 8>, scalar_prefetch = 0 : i64, scratch_operands = 0 : i64, tpu.core_type = #tpu.core_type<tc>, window_params = [{transform_indices = @transform_0, window_bounds = array<i64: 1, 1280, 128>}, {transform_indices = @transform_1, window_bounds = array<i64: 1, 1280, 128>}, {transform_indices = @transform_2, window_bounds = array<i64: 1280, 16>}, {pipeline_mode = #tpu.pipeline_mode<synchronous>, transform_indices = @transform_3, window_bounds = array<i64: 1, 128>}, {transform_indices = @transform_4, window_bounds = array<i64: 1280, 128>}]} {
    %get3A = arith.constant 0 : index
    %get3A_0 = arith.constant 0 : index
    %get3A_1 = vector.load %arg3[%get3A, %get3A_0] : memref<1280x16xf32, #tpu.memory_space<vmem>>, vector<1280x16xf32>
    %slice3A = vector.extract_strided_slice %get3A_1 {offsets = [0, 0], sizes = [1280, 1], strides = [1, 1]} : vector<1280x16xf32> to vector<1280x1xf32>
    %get3A_2 = arith.constant 0 : index
    %get3A_3 = arith.constant 0 : index
    %get3A_4 = arith.constant 0 : index
    %get3A_5 = vector.load %arg1[%get3A_2, %get3A_3, %get3A_4] : memref<1x1280x128xf32, #tpu.memory_space<vmem>>, vector<1x1280x128xf32>
    %get3A_6 = vector.shape_cast %get3A_5 : vector<1x1280x128xf32> to vector<1280x128xf32>
    %get3A_7 = arith.constant 0 : index
    %get3A_8 = arith.constant 0 : index
    %get3A_9 = arith.constant 0 : index
    %get3A_10 = vector.load %arg2[%get3A_7, %get3A_8, %get3A_9] : memref<1x1280x128xf32, #tpu.memory_space<vmem>>, vector<1x1280x128xf32>
    %get3A_11 = vector.shape_cast %get3A_10 : vector<1x1280x128xf32> to vector<1280x128xf32>
    %add3A = arith.addf %get3A_6, %get3A_11 : vector<1280x128xf32>
    %mul3A = vector.broadcast %slice3A : vector<1280x1xf32> to vector<1280x128xf32>
    %mul3A_12 = arith.mulf %add3A, %mul3A : vector<1280x128xf32>
    %get3A_13 = arith.constant 0 : index
    %get3A_14 = arith.constant 0 : index
    %get3A_15 = vector.load %arg4[%get3A_13, %get3A_14] : memref<1x128xf32, #tpu.memory_space<vmem>>, vector<1x128xf32>
    %add3A_16 = vector.broadcast %get3A_15 : vector<1x128xf32> to vector<1280x128xf32>
    %add3A_17 = arith.addf %mul3A_12, %add3A_16 : vector<1280x128xf32>
    %max3A = arith.constant 0.000000e+00 : f32
    %max3A_18 = vector.broadcast %max3A : f32 to vector<1280x128xf32>
    %max3A_19 = arith.maximumf %add3A_17, %max3A_18 : vector<1280x128xf32>
    %swap3A = arith.constant 0 : index
    %swap3A_20 = arith.constant 0 : index
    %swap3A_21 = vector.load %arg5[%swap3A, %swap3A_20] : memref<1280x128xf32, #tpu.memory_space<vmem>>, vector<1280x128xf32>
    tpu.vector_store %arg5[%swap3A, %swap3A_20], %max3A_19 {strides = array<i32>} : memref<1280x128xf32, #tpu.memory_space<vmem>>, vector<1280x128xf32>,
    return
  }
  func.func @transform_0(%arg0: i32) -> (i32, i32, i32) {
    %c0_i32 = arith.constant 0 : i32
    %c0_i32_0 = arith.constant 0 : i32
    %c0_i32_1 = arith.constant 0 : i32
    return %c0_i32, %arg0, %c0_i32_0 : i32, i32, i32
  }
  func.func @transform_1(%arg0: i32) -> (i32, i32, i32) {
    %c1_i32 = arith.constant 1 : i32
    %c0_i32 = arith.constant 0 : i32
    %c0_i32_0 = arith.constant 0 : i32
    return %c1_i32, %arg0, %c0_i32 : i32, i32, i32
  }
  func.func @transform_2(%arg0: i32) -> (i32, i32) {
    %c0_i32 = arith.constant 0 : i32
    %c0_i32_0 = arith.constant 0 : i32
    return %arg0, %c0_i32 : i32, i32
  }
  func.func @transform_3(%arg0: i32) -> (i32, i32) {
    %c0_i32 = arith.constant 0 : i32
    %c0_i32_0 = arith.constant 0 : i32
    %c0_i32_1 = arith.constant 0 : i32
    return %c0_i32, %c0_i32_0 : i32, i32
  }
  func.func @transform_4(%arg0: i32) -> (i32, i32) {
    %c0_i32 = arith.constant 0 : i32
    %c0_i32_0 = arith.constant 0 : i32
    return %arg0, %c0_i32 : i32, i32
  }
}

</mosaic_0001>

<sc_bundles>
// kernel: kernel.11.cloned.1.call-start
scs
__scs_entry_jumppad:
0x0: {  	(pc) =	sbr.rel $0x88, $3  }
0x1: {  	(tag) =	ssettag $0x0;
	lr =	simm.s32 $0x1  }
0x2: {  	[smem:$0x3F9B] =	sst lr;
	_ =	strace $0xD0000000  }
0x3: {  	_ = 	snop  }
0x4: {  	_ = 	snop  }
0x5: {  	_ = 	snop  }
0x6: {  	_ = 	snop  }
0x7: {  	_ = 	snop  }
__scs_overlays_trampoline_lowered:
0x8: {  	[smem:$0x3FAA] =	sst s0  }
0x9: {  	[smem:$0x3FAB] =	sst s1  }
0xa: {  	[smem:$0x3FAC] =	sst s2  }
0xb: {  	[smem:$0x3FAD] =	sst s3  }
0xc: {  	[smem:$0x3FAE] =	sst s4  }
0xd: {  	[smem:$0x3FAF] =	sst s5  }
0xe: {  	[smem:$0x3FB0] =	sst s6  }
0xf: {  	[smem:$0x3FB1] =	sst s7  }
0x10: {  	[smem:$0x3FB2] =	sst s8  }
0x11: {  	[smem:$0x3FB3] =	sst s9;
	s0 =	simm.s32 @!p0 $0x0  }
0x12: {  	s1 =	sld [smem:$0x3F99];
	s0 =	simm.s32 @p0 $0x1  }
0x13: {  	[smem:$0x3FB4] =	sst s0;
	s0 =	simm.s32 @!p1 $0x0  }
0x14: {  	s2 =	sld [smem:$0x3F98];
	s0 =	simm.s32 @p1 $0x1  }
0x15: {  	[smem:$0x3FB5] =	sst s0;
	s0 =	simm.s32 @!p2 $0x0  }
0x16: {  	s3 =	sld [smem:$0x3FDB];
	s0 =	simm.s32 @p2 $0x1  }
0x17: {  	s4 =	simm.s32 $0x1BF5;
	[smem:$0x3FB7] =	sst s0  }
0x18: {  	s0 =	sld [smem:$0x3F9A];
	_ =	swait.ge [sflag:s4], $0x0  }
0x19: {  	s7 =	sld [smem:$0x3F9B]  }
0x1a: {  	s8 =	sadd.s32 $0xFFFFE003, lr  }
0x1b: {  	s9 =	sadd.s32 $0xFFFFFEF7, lr;
	s5 =	simm.s32 $0xFFFFFFFF;
	p2 =	slt.u32 s8, $0xFFFFF086  }
0x1c: {  	p1 =	slt.u32 s9, $0xF7A;
	s5 =	simm.s32 @!p2 $0x0  }
0x1d: {  	s5 =	simm.s32 @p1 $0x1;
	p0 =	seq.s32 s7, s2  }
0x1e: {  	s7 =	smul.u32 @!p0 $0xF7A, s2;
	p2 =	seq.s32 @!p0 s5, $0x0  }
0x1f: {  	s9 =	smul.u32 $0xF7A, s1;
	s8 =	simm.s32 @!p0 $0x1BF5;
	p2 =	por !p2, p0  }
0x20: {  	[sflag:s8] =	ssyncset.s32 @!p0 $0xFFFFF086;
	s6 =	sadd.s32 @!p0 s3, s7;
	s7 =	simm.s32 @!p0 $0x108  }
0x21: {  	s3 =	sadd.s32 s3, s9;
	s6 =	sadd.s32 @!p0 $0x88, s6;
	s7 =	simm.s32 @p2 $0x1082  }
0x22: {  	[simem:s7], [sflag:s8] =	dma.local @!p0 [hbm:s6], $0xF7A  }
0x23: {  	s9 =	sor.u32 $0xD0000000, s2;
	s6 =	simm.s32 $0x108;
	_ =	swait.ge @!p0 [sflag:s8], $0x0  }
0x24: {  	s3 =	sadd.s32 $0x88, s3;
	s6 =	simm.s32 @!p1 $0x1082;
	[sflag:s4] =	ssyncset.s32 $0xFFFFF086  }
0x25: {  	[simem:s6], [sflag:s4] =	dma.local [hbm:s3], $0xF7A  }
0x26: {  	[smem:$0x3F9B] =	sst s1;
	(tag) =	ssettag s2;
	_ =	strace s9  }
0x27: {  	s1 =	sld [smem:$0x3FAB]  }
0x28: {  	s2 =	sld [smem:$0x3FAC]  }
0x29: {  	s4 =	sld [smem:$0x3FAE]  }
0x2a: {  	p0 =	seq.s32 s5, $0x0;
	s5 =	sld [smem:$0x3FAF]  }
0x2b: {  	s6 =	sld [smem:$0x3FB0]  }
0x2c: {  	s7 =	sld [smem:$0x3FB1]  }
0x2d: {  	s3 =	simm.s32 $0x108;
	s8 =	sld [smem:$0x3FB2]  }
0x2e: {  	s3 =	simm.s32 @!p0 $0x1082;
	s9 =	sld [smem:$0x3FB3]  }
0x2f: {  	lr =	sadd.s32 s0, s3;
	s0 =	sld [smem:$0x3FAA]  }
0x30: {  	s3 =	sld [smem:$0x3FAD]  }
0x31: {  	[smem:$0x3FB6] =	sst s10  }
0x32: {  	s10 =	sld [smem:$0x3FB4];
	_ =	sdelay $0x3  }
0x33: {  	p0 =	seq.s32 s10, $0x1;
	s10 =	sld [smem:$0x3FB6];
	_ =	sdelay $0x3  }
0x34: {  	[smem:$0x3FB6] =	sst s10  }
0x35: {  	s10 =	sld [smem:$0x3FB5];
	_ =	sdelay $0x3  }
0x36: {  	p1 =	seq.s32 s10, $0x1;
	s10 =	sld [smem:$0x3FB6];
	_ =	sdelay $0x3  }
0x37: {  	[smem:$0x3FB6] =	sst s10  }
0x38: {  	s10 =	sld [smem:$0x3FB7]  }
0x39: {  	_ = 	snop;
	(pc) =	sbr.ind lr, $3  }
0x3a: {  	_ = 	snop  }
0x3b: {  	_ = 	snop  }
0x3c: {  	p2 =	seq.s32 s10, $0x1;
	s10 =	sld [smem:$0x3FB6]  }
0x3d: {  	_ =	shalt  }
0x3e: {  	_ =	shalt  }
0x3f: {  	_ =	shalt  }
0x40: {  	_ =	shalt  }
0x41: {  	_ =	shalt  }
0x42: {  	_ =	shalt  }
0x43: {  	_ =	shalt  }
0x44: {  	_ =	shalt  }
0x45: {  	_ =	shalt  }
0x46: {  	_ =	shalt  }
0x47: {  	_ =	shalt  }
0x48: {  	_ =	shalt  }
0x49: {  	_ =	shalt  }
0x4a: {  	_ =	shalt  }
0x4b: {  	_ =	shalt  }
0x4c: {  	_ =	shalt  }
0x4d: {  	_ =	shalt  }
0x4e: {  	_ =	shalt  }
0x4f: {  	_ =	shalt  }
0x50: {  	_ =	shalt  }
0x51: {  	_ =	shalt  }
0x52: {  	_ =	shalt  }
0x53: {  	_ =	shalt  }
0x54: {  	_ =	shalt  }
0x55: {  	_ =	shalt  }
0x56: {  	_ =	shalt  }
0x57: {  	_ =	shalt  }
0x58: {  	_ =	shalt  }
0x59: {  	_ =	shalt  }
0x5a: {  	_ =	shalt  }
0x5b: {  	_ =	shalt  }
0x5c: {  	_ =	shalt  }
0x5d: {  	_ =	shalt  }
0x5e: {  	_ =	shalt  }
0x5f: {  	_ =	shalt  }
0x60: {  	_ =	shalt  }
0x61: {  	_ =	shalt  }
0x62: {  	_ =	shalt  }
0x63: {  	_ =	shalt  }
0x64: {  	_ =	shalt  }
0x65: {  	_ =	shalt  }
0x66: {  	_ =	shalt  }
0x67: {  	_ =	shalt  }
0x68: {  	_ =	shalt  }
0x69: {  	_ =	shalt  }
0x6a: {  	_ =	shalt  }
0x6b: {  	_ =	shalt  }
0x6c: {  	_ =	shalt  }
0x6d: {  	_ =	shalt  }
0x6e: {  	_ =	shalt  }
0x6f: {  	_ =	shalt  }
0x70: {  	_ =	shalt  }
0x71: {  	_ =	shalt  }
0x72: {  	_ =	shalt  }
0x73: {  	_ =	shalt  }
0x74: {  	_ =	shalt  }
0x75: {  	_ =	shalt  }
0x76: {  	_ =	shalt  }
0x77: {  	_ =	shalt  }
0x78: {  	_ =	shalt  }
0x79: {  	_ =	shalt  }
0x7a: {  	_ =	shalt  }
0x7b: {  	_ =	shalt  }
0x7c: {  	_ =	shalt  }
0x7d: {  	_ =	shalt  }
0x7e: {  	_ =	shalt  }
0x7f: {  	_ =	shalt  }
0x80: {  	_ =	shalt  }
0x81: {  	_ =	shalt  }
0x82: {  	_ =	shalt  }
0x83: {  	_ =	shalt  }
0x84: {  	_ =	shalt  }
0x85: {  	_ =	shalt  }
0x86: {  	_ =	shalt  }
0x87: {  	_ =	shalt  }
.Lfunc_end0:
.L_simem_size_0:
called_computation.1_lowered:
.L_overlay_start_0:
0x88: {  	s2 =	sld [smem:$0x3FD9]  }
0x89: {  	s3 =	sld [smem:$0x3FFE];
	_ =	sdelay $0x1  }
0x8a: {  	s1 =	srdreg.scid  }
0x8b: {  	s0 =	sand.u32 $0x1, s1  }
0x8c: {  	s16 =	sshll.u32 s0, $0xA;
	s2 =	sadd.s32 s3, s2  }
0x8d: {  	s2 =	sadd.s32 s2, s16  }
0x8e: {  	[smem:$0x3FC2] =	sst s2  }
0x8f: {  	_ = 	snop  }
0x90: {  	(tm) =	ssettm $0x1  }
0x91: {  	s17 =	sld [smem:$0x3FFB];
	_ =	sdelay $0x3  }
0x92: {  	_ =	strace s17  }
0x93: {  	s2 =	sld [smem:$0x3FFC];
	_ =	sdelay $0x3  }
0x94: {  	_ =	strace s2  }
0x95: {  	s2 =	sld [smem:$0x3FFD];
	_ =	sdelay $0x3  }
0x96: {  	_ =	strace s2  }
0x97: {  	_ =	strace $0x8FFFFFFF  }
0x98: {  	s18 =	sld [smem:$0x3FDB];
	_ =	sdelay $0x1  }
0x99: {  	s19 =	simm.s32 $_scs_section_size  }
0x9a: {  	s4 =	simm.s32 $_size__tile_overlayer_lowered;
	s5 =	simm.s32 $_tile_overlayer_lowered  }
0x9b: {  	s22 =	simm.s32 $0x1BFF;
	s21 =	sshll.u32 s5, $0x1;
	s2 =	sadd.s32 s19, s18  }
0x9c: {  	s6 =	simm.s32 $0x0;
	s20 =	sshll.u32 s4, $0x1;
	s4 =	sadd.s32 s21, s2  }
0x9d: {  	[timem:s6], [sflag:s22] =	dma.local [hbm:s4], s20  }
0x9e: {  	_ =	swait.ge [sflag:s22], s20  }
0x9f: {  	s3 =	ssub.s32 $0x0, s20;
	[sflag:s22] =	ssyncset.done $0x0  }
0xa0: {  	[sflag:s22] =	ssyncadd.s32 s3;
	_ =	sdelay $0x1  }
0xa1: {  	s23 =	simm.s32 $0x1B8B  }
0xa2: {  	_ =	swait.ge [sflag:s23], $0x1  }
0xa3: {  	[sflag:s23] =	ssyncset.done $0x0  }
0xa4: {  	s25 =	simm.s32 $0x1B8E;
	s24 =	sld [smem:$0x3FFE];
	[sflag:s23] =	ssyncadd.s32 $0xFFFFFFFF  }
0xa5: {  	s26 =	simm.s32 $execute0_lowered;
	[smem:$0x3FD2] =	sst s25  }
0xa6: {  	s4 =	sshll.u32 s26, $0x1;
	_ =	strace $0x80000049;
	[dreg:$0x1] =	wrdreg $0xFFFFFFFF  }
0xa7: {  	s28 =	simm.s32 $_size_execute0_lowered;
	s2 =	sadd.s32 s2, s4;
	[dreg:$0x0] =	wrdreg $0x0  }
0xa8: {  	s4 =	sshll.u32 s28, $0x1;
	[dreg:$0x2] =	wrdreg s2  }
0xa9: {  	[dreg:$0x3] =	wrdreg s4  }
0xaa: {  	[dreg:$0x4] =	wrdreg $0xC0  }
0xab: {  	_ =	task [dreg:s6], $0x5FFFF  }
0xac: {  	[dreg:$0x1] =	wrdreg $0xFFFFFFFF  }
0xad: {  	[dreg:$0x0] =	wrdreg $0x60  }
0xae: {  	[dreg:$0x2] =	wrdreg s24  }
0xaf: {  	[dreg:$0x3] =	wrdreg $0x90000  }
0xb0: {  	[dreg:$0x4] =	wrdreg $0x9  }
0xb1: {  	_ =	task.clear_ibuf [dreg:s6], $0x5FFFF;
	_ =	strace $0x90000049  }
0xb2: {  	s29 =	simm.s32 $0x9;
	_ =	strace $0x8000004B  }
0xb3: {  	_ =	swait.ge [sflag:s29], $0x1  }
0xb4: {  	[sflag:s29] =	ssyncadd.s32 $0xFFFFFFFF  }
0xb5: {  	_ =	strace $0x9000004B  }
0xb6: {  	_ =	sfence  }
0xb7: {  	s30 =	sld [smem:$0x0];
	_ =	sdelay $0x2  }
0xb8: {  	s31 =	sshll.u32 s1, $0xD;
	s1 =	sshrl.u32 s1, $0x2  }
0xb9: {  	s3 =	sand.u32 $0x4000, s31;
	s1 =	sadd.s32 s1, s30  }
0xba: {  	s0 =	sor.u32 s3, s0;
	s1 =	sshll.u32 s1, $0x11  }
0xbb: {  	s0 =	sor.u32 s1, s0  }
0xbc: {  	s0 =	sadd.s32 $0x8F2B, s0  }
0xbd: {  	[sflag:s0] =	ssyncadd.remote.s32 $0x1  }
0xbe: {  	_ =	sfence.sel $0xFFFF  }
0xbf: {  	[dreg:$0x0] =	wrdreg $0xFFFFFFFF;
	(pc) =	sbr.abs _section_cstart, $3  }
0xc0: {  	[dreg:$0x1] =	wrdreg $0xFFFFFFFF  }
0xc1: {  	_ =	task.clear_ibuf [dreg:s6], $0x2FFFF;
	_ =	strace $0x9FFFFFFF  }
0xc2: {  	(tm) =	ssettm $0x7FFFFFFF  }
0xc3: {  	_ =	shalt  }
tec
execute0_lowered:
.L_overlay_start_1:
0x0: {  	(tag) =	ssettag $0x1  }
0x1: {  	s5 =	rddreg [dreg:$0x0]  }
0x2: {  	s0 =	stileid.u32;
	s1 =	srdreg.scid  }
0x3: {  	s2 =	rddreg [dreg:$0x1];
	s3 =	simm.s32 $0x0;
	s4 =	smul.u32 $0x500, s0  }
0x4: {  	s16 =	simm.s32 $0x2800;
	s17 =	simm.s32 $0x80;
	s7 =	smul.u32 $0x14000, s0  }
0x5: {  	s13 =	sand.u32 $0x1, s1;
	s1 =	rddreg [dreg:$0x2];
	s8 =	smul.u32 $0x2800, s0  }
0x6: {  	s18 =	simm.s32 $0x5000;
	[smem:$0x7FF] =	sst s3;
	s28 =	smul.u32 $0x50000, s0  }
0x7: {  	s31 =	sshll.u32 s0, $0x6;
	s6 =	smul.u32 $0x140000, s13;
	_ =	strace $0x8000004A  }
0x8: {  	s11 =	ssub.s32 $0x2, s13;
	p0 =	seq.s32 s13, $0x0;
	s13 =	sor.u32 $0x1C01, s31  }
0x9: {  	s10 =	sadd.s32 s4, s5;
	s4 =	sadd.s32 $0x2A800, s5;
	s9 =	sadd.s32 s8, s5  }
0xa: {  	s29 =	sshrl.u32 s11, $0x1;
	s30 =	sshrl.u32 s28, $0x2;
	s6 =	sadd.s32 s7, s6  }
.Ltmp0:
0xb: {  	s14 =	ssub.s32 s11, s29;
	s15 =	sadd.s32 s30, s2;
	(pc) =	sbr.rel .LBB2_1-.Ltmp0, $4  }
0xc: {  	s7 =	sadd.s32 $0x7A800, s10;
	s8 =	sadd.s32 s4, s8;
	s6 =	sshrl.u32 s6, $0x3  }
0xd: {  	s12 =	sadd.s32 s6, s5;
	s5 =	sadd.s32 $0x2800, s9;
	s6 =	sadd.s32 $0x89800, s10  }
0xe: {  	s9 =	sadd.s32 $0x84800, s10;
	s10 =	sadd.s32 $0x7F800, s10;
	s11 =	sadd.s32 $0x8E800, s12  }
0xf: {  	s12 =	smax.u32 s14, $0x1;
	s14 =	sshrl.u32 s15, $0x3;
	s15 =	simm.s32 $0x1  }
.LBB2_7:
0x10: {  	s19 =	sshra.s32 s19, $0x2;
	[sflag:s15] =	ssyncadd.s32 $0xFFFFC000  }
0x11: {  	[tilespmem:s18], [sflag:$0x1] =	stream.indirect.gather [hbm4b:s4+s17], $0x80, s19, s17, $0xb8;
	[tilespmem:$0x1D000] =	vst v63  }
0x12: {  	_ =	swait.ge [sflag:s15], $0x4000  }
0x13: {  	[sflag:s15] =	ssyncset.done $0x0  }
0x14: {  	s19 =	sadd.s32 $0x2800, s19;
	[sflag:s15] =	ssyncadd.s32 $0xFFFFC000  }
0x15: {  	[spmem:s2] =	stream.indirect.scatter.add.f32 [tilespmem:s18], [sflag:$0x1], $0x80, s19, s17, $0xb8;
	[tilespmem:$0x1D000] =	vst v63  }
0x16: {  	_ =	swait.ge [sflag:s15], $0x4000  }
0x17: {  	[sflag:s15] =	ssyncset.done $0x0  }
0x18: {  	[sflag:s15] =	ssyncadd.s32 $0xFFFFC000  }
.LBB2_8:
0x19: {  	s3 =	sadd.s32 $0x1, s3  }
0x1a: {  	p1 =	sne.s32 s3, s12  }
.Ltmp1:
0x1b: {  	[bflag:$0x0] =	sbarrier.arrive $0xFFFF;
	(pc) =	sbr.rel @!p1 .LBB2_9-.Ltmp1, $4  }
0x1c: {  	[hbm:s11], [sflag:s13] =	dma.local [spmem:s14], $0x2800  }
0x1d: {  	_ =	swait.ge [sflag:s15], $0x2800  }
0x1e: {  	[sflag:s15] =	ssyncset.done $0x0  }
0x1f: {  	[sflag:s15] =	ssyncadd.s32 $0xFFFFD800  }
.LBB2_1:
.Ltmp2:
0x20: {  	(pc) =	sbr.rel @!p0 .LBB2_2-.Ltmp2, $1  }
0x21: {  	_ =	sdelay $0x3  }
0x22: {  	[spmem:s14], [sflag:s13] =	dma.local [hbm:s8], $0x2800  }
0x23: {  	_ =	swait.ge [sflag:s15], $0x2800  }
0x24: {  	[sflag:s15] =	ssyncset.done $0x0  }
0x25: {  	[sflag:s15] =	ssyncadd.s32 $0xFFFFD800  }
0x26: {  	s19 =	simm.s32 $0x0;
	[bflag:$0x0] =	sbarrier.arrive $0xFFFF  }
0x27: {  	[tilespmem:s19], [sflag:$0x1] =	stream.linear.gather [hbm4b:s9+s19], $0x2780, $0x38;
	[tilespmem:$0x1D000] =	vst v63  }
0x28: {  	_ =	swait.ge [sflag:s15], $0x2780  }
0x29: {  	[sflag:s15] =	ssyncset.done $0x0  }
0x2a: {  	[sflag:s15] =	ssyncadd.s32 $0xFFFFD880  }
0x2b: {  	[tilespmem:s16], [sflag:$0x1] =	stream.linear.gather [hbm4b:s10+s19], $0x2780, $0x38;
	[tilespmem:$0x1D000] =	vst v63  }
0x2c: {  	_ =	swait.ge [sflag:s15], $0x2780  }
0x2d: {  	[sflag:s15] =	ssyncset.done $0x0  }
0x2e: {  	s30 =	simm.s32 $0x0;
	[sflag:s15] =	ssyncadd.s32 $0xFFFFD880  }
0x2f: {  	[tilespmem:s18], [sflag:$0x1] =	stream.indirect.gather [hbm4b:s4+s17], $0x80, s30, s17, $0xb8;
	[tilespmem:$0x1D000] =	vst v63  }
0x30: {  	_ =	swait.ge [sflag:s15], $0x4000  }
0x31: {  	[sflag:s15] =	ssyncset.done $0x0  }
0x32: {  	s31 =	simm.s32 $0x2800;
	[sflag:s15] =	ssyncadd.s32 $0xFFFFC000  }
0x33: {  	[spmem:s2] =	stream.indirect.scatter.add.f32 [tilespmem:s18], [sflag:$0x1], $0x80, s31, s17, $0xb8;
	[tilespmem:$0x1D000] =	vst v63  }
0x34: {  	_ =	swait.ge [sflag:s15], $0x4000  }
0x35: {  	s20 =	simm.s32 $0x400;
	s19 =	simm.s32 $0x200;
	[sflag:s15] =	ssyncset.done $0x0  }
.LBB2_6:
0x36: {  	s21 =	sshra.s32 s19, $0x2  }
0x37: {  	[sflag:s15] =	ssyncadd.s32 $0xFFFFC000;
	s19 =	smov.u32 s20;
	s22 =	sadd.s32 $0x200, s20  }
0x38: {  	[tilespmem:s18], [sflag:$0x1] =	stream.indirect.gather [hbm4b:s4+s17], $0x80, s21, s17, $0xb8;
	[tilespmem:$0x1D000] =	vst v63  }
0x39: {  	p1 =	seq.s32 s20, $0x9C00;
	_ =	swait.ge [sflag:s15], $0x4000  }
.Ltmp3:
0x3a: {  	[sflag:s15] =	ssyncset.done $0x0;
	(pc) =	sbr.rel @!p1 .LBB2_6-.Ltmp3, $4  }
0x3b: {  	s20 =	sadd.s32 $0x2800, s21;
	[sflag:s15] =	ssyncadd.s32 $0xFFFFC000  }
0x3c: {  	[spmem:s2] =	stream.indirect.scatter.add.f32 [tilespmem:s18], [sflag:$0x1], $0x80, s20, s17, $0xb8;
	[tilespmem:$0x1D000] =	vst v63  }
0x3d: {  	_ =	swait.ge [sflag:s15], $0x4000  }
0x3e: {  	s20 =	smov.u32 s22;
	[sflag:s15] =	ssyncset.done $0x0  }
.Ltmp4:
0x3f: {  	_ = 	snop;
	(pc) =	sbr.rel .LBB2_7-.Ltmp4, $1  }
0x40: {  	_ =	sdelay $0x3  }
.LBB2_2:
0x41: {  	[spmem:s14], [sflag:s13] =	dma.local [hbm:s5], $0x2800  }
0x42: {  	_ =	swait.ge [sflag:s15], $0x2800  }
0x43: {  	[sflag:s15] =	ssyncset.done $0x0  }
0x44: {  	[sflag:s15] =	ssyncadd.s32 $0xFFFFD800  }
0x45: {  	s19 =	simm.s32 $0x0;
	[bflag:$0x0] =	sbarrier.arrive $0xFFFF  }
0x46: {  	[tilespmem:s19], [sflag:$0x1] =	stream.linear.gather [hbm4b:s6+s19], $0x2780, $0x38;
	[tilespmem:$0x1D000] =	vst v63  }
0x47: {  	_ =	swait.ge [sflag:s15], $0x2780  }
0x48: {  	[sflag:s15] =	ssyncset.done $0x0  }
0x49: {  	[sflag:s15] =	ssyncadd.s32 $0xFFFFD880  }
0x4a: {  	[tilespmem:s16], [sflag:$0x1] =	stream.linear.gather [hbm4b:s7+s19], $0x2780, $0x38;
	[tilespmem:$0x1D000] =	vst v63  }
0x4b: {  	_ =	swait.ge [sflag:s15], $0x2780  }
0x4c: {  	[sflag:s15] =	ssyncset.done $0x0  }
0x4d: {  	s30 =	simm.s32 $0x0;
	[sflag:s15] =	ssyncadd.s32 $0xFFFFD880  }
0x4e: {  	[tilespmem:s18], [sflag:$0x1] =	stream.indirect.gather [hbm4b:s4+s17], $0x80, s30, s17, $0xb8;
	[tilespmem:$0x1D000] =	vst v63  }
0x4f: {  	_ =	swait.ge [sflag:s15], $0x4000  }
0x50: {  	[sflag:s15] =	ssyncset.done $0x0  }
0x51: {  	s31 =	simm.s32 $0x2800;
	[sflag:s15] =	ssyncadd.s32 $0xFFFFC000  }
0x52: {  	[spmem:s2] =	stream.indirect.scatter.add.f32 [tilespmem:s18], [sflag:$0x1], $0x80, s31, s17, $0xb8;
	[tilespmem:$0x1D000] =	vst v63  }
0x53: {  	_ =	swait.ge [sflag:s15], $0x4000  }
0x54: {  	s20 =	simm.s32 $0x400;
	s19 =	simm.s32 $0x200;
	[sflag:s15] =	ssyncset.done $0x0  }
.LBB2_3:
0x55: {  	s21 =	sshra.s32 s19, $0x2  }
0x56: {  	[sflag:s15] =	ssyncadd.s32 $0xFFFFC000;
	s19 =	smov.u32 s20;
	s22 =	sadd.s32 $0x200, s20  }
0x57: {  	[tilespmem:s18], [sflag:$0x1] =	stream.indirect.gather [hbm4b:s4+s17], $0x80, s21, s17, $0xb8;
	[tilespmem:$0x1D000] =	vst v63  }
0x58: {  	p1 =	sne.s32 s20, $0x9C00;
	_ =	swait.ge [sflag:s15], $0x4000  }
.Ltmp5:
0x59: {  	[sflag:s15] =	ssyncset.done $0x0;
	(pc) =	sbr.rel @p1 .LBB2_3-.Ltmp5, $4  }
0x5a: {  	s20 =	sadd.s32 $0x2800, s21;
	[sflag:s15] =	ssyncadd.s32 $0xFFFFC000  }
0x5b: {  	[spmem:s2] =	stream.indirect.scatter.add.f32 [tilespmem:s18], [sflag:$0x1], $0x80, s20, s17, $0xb8;
	[tilespmem:$0x1D000] =	vst v63  }
0x5c: {  	_ =	swait.ge [sflag:s15], $0x4000  }
0x5d: {  	s20 =	smov.u32 s22;
	[sflag:s15] =	ssyncset.done $0x0  }
0x5e: {  	s19 =	sshra.s32 s19, $0x2;
	[sflag:s15] =	ssyncadd.s32 $0xFFFFC000  }
0x5f: {  	[tilespmem:s18], [sflag:$0x1] =	stream.indirect.gather [hbm4b:s4+s17], $0x80, s19, s17, $0xb8;
	[tilespmem:$0x1D000] =	vst v63  }
0x60: {  	_ =	swait.ge [sflag:s15], $0x4000  }
0x61: {  	[sflag:s15] =	ssyncset.done $0x0  }
.Ltmp6:
0x62: {  	s19 =	sadd.s32 $0x2800, s19;
	[sflag:s15] =	ssyncadd.s32 $0xFFFFC000;
	(pc) =	sbr.rel .LBB2_8-.Ltmp6, $4  }
0x63: {  	[spmem:s2] =	stream.indirect.scatter.add.f32 [tilespmem:s18], [sflag:$0x1], $0x80, s19, s17, $0xb8;
	[tilespmem:$0x1D000] =	vst v63  }
0x64: {  	_ =	swait.ge [sflag:s15], $0x4000  }
0x65: {  	[sflag:s15] =	ssyncset.done $0x0  }
0x66: {  	[sflag:s15] =	ssyncadd.s32 $0xFFFFC000  }
.LBB2_9:
0x67: {  	_ =	sfence.sel $0x180000  }
0x68: {  	[bflag:$0x0] =	sbarrier.arrive $0xFFFF  }
0x69: {  	p0 =	sne.s32 s0, $0x0;
	_ =	strace $0x9000004A  }
0x6a: {  	s0 =	sadd.s32 @!p0 $0x100000, s1;
	[bflag:$0x2] =	sbarrier.arrive $0xFFFF  }
0x6b: {  	[sflag:s0] =	ssyncadd.tile.s32 @!p0 $0x1;
	_ =	shalt  }
.Lfunc_end2:
_tile_overlayer_lowered:
.L_overlay_start_2:
0x6c: {  	(tag) =	ssettag $0x2  }
0x6d: {  	s0 =	rddreg [dreg:$0x0];
	s2 =	stileid.u32  }
0x6e: {  	s1 =	rddreg [dreg:$0x1];
	p0 =	sne.s32 s2, $0x0  }
0x6f: {  	s3 =	rddreg [dreg:$0x2];
	[bflag:$0x3] =	sbarrier.arrive $0xFFFF;
	s2 =	simm.s32 @!p0 $0x1C01  }
0x70: {  	[timem:s3], [sflag:s2] =	dma.local @!p0 [hbm:s0], s1  }
0x71: {  	s0 =	simm.s32 @!p0 $0x1  }
0x72: {  	_ =	swait.ge @!p0 [sflag:s0], s1  }
0x73: {  	s1 =	ssub.s32 @!p0 $0x0, s1;
	[sflag:s0] =	ssyncset.done @!p0 $0x0  }
0x74: {  	[sflag:s0] =	ssyncadd.s32 @!p0 s1  }
0x75: {  	[bflag:$0x3] =	sbarrier.arrive $0xFFFF  }
0x76: {  	_ =	shalt  }

// kernel: kernel.14.cloned.1.call-start
scs
__scs_entry_jumppad:
0x0: {  	(pc) =	sbr.rel $0x88, $3  }
0x1: {  	(tag) =	ssettag $0x0;
	lr =	simm.s32 $0x1  }
0x2: {  	[smem:$0x3F9B] =	sst lr;
	_ =	strace $0xD0000000  }
0x3: {  	_ = 	snop  }
0x4: {  	_ = 	snop  }
0x5: {  	_ = 	snop  }
0x6: {  	_ = 	snop  }
0x7: {  	_ = 	snop  }
__scs_overlays_trampoline_lowered:
0x8: {  	[smem:$0x3FAA] =	sst s0  }
0x9: {  	[smem:$0x3FAB] =	sst s1  }
0xa: {  	[smem:$0x3FAC] =	sst s2  }
0xb: {  	[smem:$0x3FAD] =	sst s3  }
0xc: {  	[smem:$0x3FAE] =	sst s4  }
0xd: {  	[smem:$0x3FAF] =	sst s5  }
0xe: {  	[smem:$0x3FB0] =	sst s6  }
0xf: {  	[smem:$0x3FB1] =	sst s7  }
0x10: {  	[smem:$0x3FB2] =	sst s8  }
0x11: {  	[smem:$0x3FB3] =	sst s9;
	s0 =	simm.s32 @!p0 $0x0  }
0x12: {  	s1 =	sld [smem:$0x3F99];
	s0 =	simm.s32 @p0 $0x1  }
0x13: {  	[smem:$0x3FB4] =	sst s0;
	s0 =	simm.s32 @!p1 $0x0  }
0x14: {  	s2 =	sld [smem:$0x3F98];
	s0 =	simm.s32 @p1 $0x1  }
0x15: {  	[smem:$0x3FB5] =	sst s0;
	s0 =	simm.s32 @!p2 $0x0  }
0x16: {  	s3 =	sld [smem:$0x3FDB];
	s0 =	simm.s32 @p2 $0x1  }
0x17: {  	s4 =	simm.s32 $0x1BF5;
	[smem:$0x3FB7] =	sst s0  }
0x18: {  	s0 =	sld [smem:$0x3F9A];
	_ =	swait.ge [sflag:s4], $0x0  }
0x19: {  	s7 =	sld [smem:$0x3F9B]  }
0x1a: {  	s8 =	sadd.s32 $0xFFFFE003, lr  }
0x1b: {  	s9 =	sadd.s32 $0xFFFFFEF7, lr;
	s5 =	simm.s32 $0xFFFFFFFF;
	p2 =	slt.u32 s8, $0xFFFFF086  }
0x1c: {  	p1 =	slt.u32 s9, $0xF7A;
	s5 =	simm.s32 @!p2 $0x0  }
0x1d: {  	s5 =	simm.s32 @p1 $0x1;
	p0 =	seq.s32 s7, s2  }
0x1e: {  	s7 =	smul.u32 @!p0 $0xF7A, s2;
	p2 =	seq.s32 @!p0 s5, $0x0  }
0x1f: {  	s9 =	smul.u32 $0xF7A, s1;
	s8 =	simm.s32 @!p0 $0x1BF5;
	p2 =	por !p2, p0  }
0x20: {  	[sflag:s8] =	ssyncset.s32 @!p0 $0xFFFFF086;
	s6 =	sadd.s32 @!p0 s3, s7;
	s7 =	simm.s32 @!p0 $0x108  }
0x21: {  	s3 =	sadd.s32 s3, s9;
	s6 =	sadd.s32 @!p0 $0x88, s6;
	s7 =	simm.s32 @p2 $0x1082  }
0x22: {  	[simem:s7], [sflag:s8] =	dma.local @!p0 [hbm:s6], $0xF7A  }
0x23: {  	s9 =	sor.u32 $0xD0000000, s2;
	s6 =	simm.s32 $0x108;
	_ =	swait.ge @!p0 [sflag:s8], $0x0  }
0x24: {  	s3 =	sadd.s32 $0x88, s3;
	s6 =	simm.s32 @!p1 $0x1082;
	[sflag:s4] =	ssyncset.s32 $0xFFFFF086  }
0x25: {  	[simem:s6], [sflag:s4] =	dma.local [hbm:s3], $0xF7A  }
0x26: {  	[smem:$0x3F9B] =	sst s1;
	(tag) =	ssettag s2;
	_ =	strace s9  }
0x27: {  	s1 =	sld [smem:$0x3FAB]  }
0x28: {  	s2 =	sld [smem:$0x3FAC]  }
0x29: {  	s4 =	sld [smem:$0x3FAE]  }
0x2a: {  	p0 =	seq.s32 s5, $0x0;
	s5 =	sld [smem:$0x3FAF]  }
0x2b: {  	s6 =	sld [smem:$0x3FB0]  }
0x2c: {  	s7 =	sld [smem:$0x3FB1]  }
0x2d: {  	s3 =	simm.s32 $0x108;
	s8 =	sld [smem:$0x3FB2]  }
0x2e: {  	s3 =	simm.s32 @!p0 $0x1082;
	s9 =	sld [smem:$0x3FB3]  }
0x2f: {  	lr =	sadd.s32 s0, s3;
	s0 =	sld [smem:$0x3FAA]  }
0x30: {  	s3 =	sld [smem:$0x3FAD]  }
0x31: {  	[smem:$0x3FB6] =	sst s10  }
0x32: {  	s10 =	sld [smem:$0x3FB4];
	_ =	sdelay $0x3  }
0x33: {  	p0 =	seq.s32 s10, $0x1;
	s10 =	sld [smem:$0x3FB6];
	_ =	sdelay $0x3  }
0x34: {  	[smem:$0x3FB6] =	sst s10  }
0x35: {  	s10 =	sld [smem:$0x3FB5];
	_ =	sdelay $0x3  }
0x36: {  	p1 =	seq.s32 s10, $0x1;
	s10 =	sld [smem:$0x3FB6];
	_ =	sdelay $0x3  }
0x37: {  	[smem:$0x3FB6] =	sst s10  }
0x38: {  	s10 =	sld [smem:$0x3FB7]  }
0x39: {  	_ = 	snop;
	(pc) =	sbr.ind lr, $3  }
0x3a: {  	_ = 	snop  }
0x3b: {  	_ = 	snop  }
0x3c: {  	p2 =	seq.s32 s10, $0x1;
	s10 =	sld [smem:$0x3FB6]  }
0x3d: {  	_ =	shalt  }
0x3e: {  	_ =	shalt  }
0x3f: {  	_ =	shalt  }
0x40: {  	_ =	shalt  }
0x41: {  	_ =	shalt  }
0x42: {  	_ =	shalt  }
0x43: {  	_ =	shalt  }
0x44: {  	_ =	shalt  }
0x45: {  	_ =	shalt  }
0x46: {  	_ =	shalt  }
0x47: {  	_ =	shalt  }
0x48: {  	_ =	shalt  }
0x49: {  	_ =	shalt  }
0x4a: {  	_ =	shalt  }
0x4b: {  	_ =	shalt  }
0x4c: {  	_ =	shalt  }
0x4d: {  	_ =	shalt  }
0x4e: {  	_ =	shalt  }
0x4f: {  	_ =	shalt  }
0x50: {  	_ =	shalt  }
0x51: {  	_ =	shalt  }
0x52: {  	_ =	shalt  }
0x53: {  	_ =	shalt  }
0x54: {  	_ =	shalt  }
0x55: {  	_ =	shalt  }
0x56: {  	_ =	shalt  }
0x57: {  	_ =	shalt  }
0x58: {  	_ =	shalt  }
0x59: {  	_ =	shalt  }
0x5a: {  	_ =	shalt  }
0x5b: {  	_ =	shalt  }
0x5c: {  	_ =	shalt  }
0x5d: {  	_ =	shalt  }
0x5e: {  	_ =	shalt  }
0x5f: {  	_ =	shalt  }
0x60: {  	_ =	shalt  }
0x61: {  	_ =	shalt  }
0x62: {  	_ =	shalt  }
0x63: {  	_ =	shalt  }
0x64: {  	_ =	shalt  }
0x65: {  	_ =	shalt  }
0x66: {  	_ =	shalt  }
0x67: {  	_ =	shalt  }
0x68: {  	_ =	shalt  }
0x69: {  	_ =	shalt  }
0x6a: {  	_ =	shalt  }
0x6b: {  	_ =	shalt  }
0x6c: {  	_ =	shalt  }
0x6d: {  	_ =	shalt  }
0x6e: {  	_ =	shalt  }
0x6f: {  	_ =	shalt  }
0x70: {  	_ =	shalt  }
0x71: {  	_ =	shalt  }
0x72: {  	_ =	shalt  }
0x73: {  	_ =	shalt  }
0x74: {  	_ =	shalt  }
0x75: {  	_ =	shalt  }
0x76: {  	_ =	shalt  }
0x77: {  	_ =	shalt  }
0x78: {  	_ =	shalt  }
0x79: {  	_ =	shalt  }
0x7a: {  	_ =	shalt  }
0x7b: {  	_ =	shalt  }
0x7c: {  	_ =	shalt  }
0x7d: {  	_ =	shalt  }
0x7e: {  	_ =	shalt  }
0x7f: {  	_ =	shalt  }
0x80: {  	_ =	shalt  }
0x81: {  	_ =	shalt  }
0x82: {  	_ =	shalt  }
0x83: {  	_ =	shalt  }
0x84: {  	_ =	shalt  }
0x85: {  	_ =	shalt  }
0x86: {  	_ =	shalt  }
0x87: {  	_ =	shalt  }
.Lfunc_end0:
.L_simem_size_0:
called_computation.2_lowered:
.L_overlay_start_0:
0x88: {  	s2 =	sld [smem:$0x3FD9]  }
0x89: {  	s3 =	sld [smem:$0x3FFE];
	_ =	sdelay $0x1  }
0x8a: {  	s1 =	srdreg.scid  }
0x8b: {  	s0 =	sand.u32 $0x1, s1  }
0x8c: {  	s16 =	sshll.u32 s0, $0xA;
	s2 =	sadd.s32 s3, s2  }
0x8d: {  	s2 =	sadd.s32 s2, s16  }
0x8e: {  	[smem:$0x3FC2] =	sst s2  }
0x8f: {  	_ = 	snop  }
0x90: {  	(tm) =	ssettm $0x1  }
0x91: {  	s17 =	sld [smem:$0x3FFB];
	_ =	sdelay $0x3  }
0x92: {  	_ =	strace s17  }
0x93: {  	s2 =	sld [smem:$0x3FFC];
	_ =	sdelay $0x3  }
0x94: {  	_ =	strace s2  }
0x95: {  	s2 =	sld [smem:$0x3FFD];
	_ =	sdelay $0x3  }
0x96: {  	_ =	strace s2  }
0x97: {  	_ =	strace $0x8FFFFFFF  }
0x98: {  	s18 =	sld [smem:$0x3FDB];
	_ =	sdelay $0x1  }
0x99: {  	s19 =	simm.s32 $_scs_section_size  }
0x9a: {  	s4 =	simm.s32 $_size__tile_overlayer_lowered;
	s5 =	simm.s32 $_tile_overlayer_lowered  }
0x9b: {  	s22 =	simm.s32 $0x1BFF;
	s21 =	sshll.u32 s5, $0x1;
	s2 =	sadd.s32 s19, s18  }
0x9c: {  	s6 =	simm.s32 $0x0;
	s20 =	sshll.u32 s4, $0x1;
	s4 =	sadd.s32 s21, s2  }
0x9d: {  	[timem:s6], [sflag:s22] =	dma.local [hbm:s4], s20  }
0x9e: {  	_ =	swait.ge [sflag:s22], s20  }
0x9f: {  	s3 =	ssub.s32 $0x0, s20;
	[sflag:s22] =	ssyncset.done $0x0  }
0xa0: {  	[sflag:s22] =	ssyncadd.s32 s3;
	_ =	sdelay $0x1  }
0xa1: {  	s23 =	simm.s32 $0x1B8B  }
0xa2: {  	_ =	swait.ge [sflag:s23], $0x1  }
0xa3: {  	[sflag:s23] =	ssyncset.done $0x0  }
0xa4: {  	s25 =	simm.s32 $0x1B8E;
	s24 =	sld [smem:$0x3FFE];
	[sflag:s23] =	ssyncadd.s32 $0xFFFFFFFF  }
0xa5: {  	s26 =	simm.s32 $execute0_lowered;
	[smem:$0x3FD2] =	sst s25  }
0xa6: {  	s4 =	sshll.u32 s26, $0x1;
	_ =	strace $0x8000004C;
	[dreg:$0x1] =	wrdreg $0xFFFFFFFF  }
0xa7: {  	s28 =	simm.s32 $_size_execute0_lowered;
	s2 =	sadd.s32 s2, s4;
	[dreg:$0x0] =	wrdreg $0x0  }
0xa8: {  	s4 =	sshll.u32 s28, $0x1;
	[dreg:$0x2] =	wrdreg s2  }
0xa9: {  	[dreg:$0x3] =	wrdreg s4  }
0xaa: {  	[dreg:$0x4] =	wrdreg $0xC0  }
0xab: {  	_ =	task [dreg:s6], $0x5FFFF  }
0xac: {  	[dreg:$0x1] =	wrdreg $0xFFFFFFFF  }
0xad: {  	[dreg:$0x0] =	wrdreg $0x60  }
0xae: {  	[dreg:$0x2] =	wrdreg s24  }
0xaf: {  	[dreg:$0x3] =	wrdreg $0x90000  }
0xb0: {  	[dreg:$0x4] =	wrdreg $0x9  }
0xb1: {  	_ =	task.clear_ibuf [dreg:s6], $0x5FFFF;
	_ =	strace $0x9000004C  }
0xb2: {  	s29 =	simm.s32 $0x9;
	_ =	strace $0x8000004E  }
0xb3: {  	_ =	swait.ge [sflag:s29], $0x1  }
0xb4: {  	[sflag:s29] =	ssyncadd.s32 $0xFFFFFFFF  }
0xb5: {  	_ =	strace $0x9000004E  }
0xb6: {  	_ =	sfence  }
0xb7: {  	s30 =	sld [smem:$0x0];
	_ =	sdelay $0x2  }
0xb8: {  	s31 =	sshll.u32 s1, $0xD;
	s1 =	sshrl.u32 s1, $0x2  }
0xb9: {  	s3 =	sand.u32 $0x4000, s31;
	s1 =	sadd.s32 s1, s30  }
0xba: {  	s0 =	sor.u32 s3, s0;
	s1 =	sshll.u32 s1, $0x11  }
0xbb: {  	s0 =	sor.u32 s1, s0  }
0xbc: {  	s0 =	sadd.s32 $0x8F2B, s0  }
0xbd: {  	[sflag:s0] =	ssyncadd.remote.s32 $0x1  }
0xbe: {  	_ =	sfence.sel $0xFFFF  }
0xbf: {  	[dreg:$0x0] =	wrdreg $0xFFFFFFFF;
	(pc) =	sbr.abs _section_cstart, $3  }
0xc0: {  	[dreg:$0x1] =	wrdreg $0xFFFFFFFF  }
0xc1: {  	_ =	task.clear_ibuf [dreg:s6], $0x2FFFF;
	_ =	strace $0x9FFFFFFF  }
0xc2: {  	(tm) =	ssettm $0x7FFFFFFF  }
0xc3: {  	_ =	shalt  }
tec
execute0_lowered:
.L_overlay_start_1:
0x0: {  	(tag) =	ssettag $0x1  }
0x1: {  	s5 =	rddreg [dreg:$0x0]  }
0x2: {  	s0 =	stileid.u32;
	s1 =	srdreg.scid  }
0x3: {  	s2 =	rddreg [dreg:$0x1];
	s3 =	simm.s32 $0x0;
	s4 =	smul.u32 $0x500, s0  }
0x4: {  	s16 =	simm.s32 $0x2800;
	s17 =	simm.s32 $0x80;
	s7 =	smul.u32 $0x14000, s0  }
0x5: {  	s13 =	sand.u32 $0x1, s1;
	s1 =	rddreg [dreg:$0x2];
	s8 =	smul.u32 $0x2800, s0  }
0x6: {  	s18 =	simm.s32 $0x5000;
	[smem:$0x7FF] =	sst s3;
	s28 =	smul.u32 $0x50000, s0  }
0x7: {  	s31 =	sshll.u32 s0, $0x6;
	s6 =	smul.u32 $0x140000, s13;
	_ =	strace $0x8000004D  }
0x8: {  	s11 =	ssub.s32 $0x2, s13;
	p0 =	seq.s32 s13, $0x0;
	s13 =	sor.u32 $0x1C01, s31  }
0x9: {  	s10 =	sadd.s32 s4, s5;
	s4 =	sadd.s32 $0x2A800, s5;
	s9 =	sadd.s32 s8, s5  }
0xa: {  	s29 =	sshrl.u32 s11, $0x1;
	s30 =	sshrl.u32 s28, $0x2;
	s6 =	sadd.s32 s7, s6  }
.Ltmp0:
0xb: {  	s14 =	ssub.s32 s11, s29;
	s15 =	sadd.s32 s30, s2;
	(pc) =	sbr.rel .LBB2_1-.Ltmp0, $4  }
0xc: {  	s7 =	sadd.s32 $0x7A800, s10;
	s8 =	sadd.s32 s4, s8;
	s6 =	sshrl.u32 s6, $0x3  }
0xd: {  	s12 =	sadd.s32 s6, s5;
	s5 =	sadd.s32 $0x2800, s9;
	s6 =	sadd.s32 $0x89800, s10  }
0xe: {  	s9 =	sadd.s32 $0x84800, s10;
	s10 =	sadd.s32 $0x7F800, s10;
	s11 =	sadd.s32 $0x8E800, s12  }
0xf: {  	s12 =	smax.u32 s14, $0x1;
	s14 =	sshrl.u32 s15, $0x3;
	s15 =	simm.s32 $0x1  }
.LBB2_7:
0x10: {  	s19 =	sshra.s32 s19, $0x2;
	[sflag:s15] =	ssyncadd.s32 $0xFFFFC000  }
0x11: {  	[tilespmem:s18], [sflag:$0x1] =	stream.indirect.gather [hbm4b:s4+s17], $0x80, s19, s17, $0xb8;
	[tilespmem:$0x1D000] =	vst v63  }
0x12: {  	_ =	swait.ge [sflag:s15], $0x4000  }
0x13: {  	[sflag:s15] =	ssyncset.done $0x0  }
0x14: {  	s19 =	sadd.s32 $0x2800, s19;
	[sflag:s15] =	ssyncadd.s32 $0xFFFFC000  }
0x15: {  	[spmem:s2] =	stream.indirect.scatter.add.f32 [tilespmem:s18], [sflag:$0x1], $0x80, s19, s17, $0xb8;
	[tilespmem:$0x1D000] =	vst v63  }
0x16: {  	_ =	swait.ge [sflag:s15], $0x4000  }
0x17: {  	[sflag:s15] =	ssyncset.done $0x0  }
0x18: {  	[sflag:s15] =	ssyncadd.s32 $0xFFFFC000  }
.LBB2_8:
0x19: {  	s3 =	sadd.s32 $0x1, s3  }
0x1a: {  	p1 =	sne.s32 s3, s12  }
.Ltmp1:
0x1b: {  	[bflag:$0x0] =	sbarrier.arrive $0xFFFF;
	(pc) =	sbr.rel @!p1 .LBB2_9-.Ltmp1, $4  }
0x1c: {  	[hbm:s11], [sflag:s13] =	dma.local [spmem:s14], $0x2800  }
0x1d: {  	_ =	swait.ge [sflag:s15], $0x2800  }
0x1e: {  	[sflag:s15] =	ssyncset.done $0x0  }
0x1f: {  	[sflag:s15] =	ssyncadd.s32 $0xFFFFD800  }
.LBB2_1:
.Ltmp2:
0x20: {  	(pc) =	sbr.rel @!p0 .LBB2_2-.Ltmp2, $1  }
0x21: {  	_ =	sdelay $0x3  }
0x22: {  	[spmem:s14], [sflag:s13] =	dma.local [hbm:s8], $0x2800  }
0x23: {  	_ =	swait.ge [sflag:s15], $0x2800  }
0x24: {  	[sflag:s15] =	ssyncset.done $0x0  }
0x25: {  	[sflag:s15] =	ssyncadd.s32 $0xFFFFD800  }
0x26: {  	s19 =	simm.s32 $0x0;
	[bflag:$0x0] =	sbarrier.arrive $0xFFFF  }
0x27: {  	[tilespmem:s19], [sflag:$0x1] =	stream.linear.gather [hbm4b:s9+s19], $0x2780, $0x38;
	[tilespmem:$0x1D000] =	vst v63  }
0x28: {  	_ =	swait.ge [sflag:s15], $0x2780  }
0x29: {  	[sflag:s15] =	ssyncset.done $0x0  }
0x2a: {  	[sflag:s15] =	ssyncadd.s32 $0xFFFFD880  }
0x2b: {  	[tilespmem:s16], [sflag:$0x1] =	stream.linear.gather [hbm4b:s10+s19], $0x2780, $0x38;
	[tilespmem:$0x1D000] =	vst v63  }
0x2c: {  	_ =	swait.ge [sflag:s15], $0x2780  }
0x2d: {  	[sflag:s15] =	ssyncset.done $0x0  }
0x2e: {  	s30 =	simm.s32 $0x0;
	[sflag:s15] =	ssyncadd.s32 $0xFFFFD880  }
0x2f: {  	[tilespmem:s18], [sflag:$0x1] =	stream.indirect.gather [hbm4b:s4+s17], $0x80, s30, s17, $0xb8;
	[tilespmem:$0x1D000] =	vst v63  }
0x30: {  	_ =	swait.ge [sflag:s15], $0x4000  }
0x31: {  	[sflag:s15] =	ssyncset.done $0x0  }
0x32: {  	s31 =	simm.s32 $0x2800;
	[sflag:s15] =	ssyncadd.s32 $0xFFFFC000  }
0x33: {  	[spmem:s2] =	stream.indirect.scatter.add.f32 [tilespmem:s18], [sflag:$0x1], $0x80, s31, s17, $0xb8;
	[tilespmem:$0x1D000] =	vst v63  }
0x34: {  	_ =	swait.ge [sflag:s15], $0x4000  }
0x35: {  	s20 =	simm.s32 $0x400;
	s19 =	simm.s32 $0x200;
	[sflag:s15] =	ssyncset.done $0x0  }
.LBB2_6:
0x36: {  	s21 =	sshra.s32 s19, $0x2  }
0x37: {  	[sflag:s15] =	ssyncadd.s32 $0xFFFFC000;
	s19 =	smov.u32 s20;
	s22 =	sadd.s32 $0x200, s20  }
0x38: {  	[tilespmem:s18], [sflag:$0x1] =	stream.indirect.gather [hbm4b:s4+s17], $0x80, s21, s17, $0xb8;
	[tilespmem:$0x1D000] =	vst v63  }
0x39: {  	p1 =	seq.s32 s20, $0x9C00;
	_ =	swait.ge [sflag:s15], $0x4000  }
.Ltmp3:
0x3a: {  	[sflag:s15] =	ssyncset.done $0x0;
	(pc) =	sbr.rel @!p1 .LBB2_6-.Ltmp3, $4  }
0x3b: {  	s20 =	sadd.s32 $0x2800, s21;
	[sflag:s15] =	ssyncadd.s32 $0xFFFFC000  }
0x3c: {  	[spmem:s2] =	stream.indirect.scatter.add.f32 [tilespmem:s18], [sflag:$0x1], $0x80, s20, s17, $0xb8;
	[tilespmem:$0x1D000] =	vst v63  }
0x3d: {  	_ =	swait.ge [sflag:s15], $0x4000  }
0x3e: {  	s20 =	smov.u32 s22;
	[sflag:s15] =	ssyncset.done $0x0  }
.Ltmp4:
0x3f: {  	_ = 	snop;
	(pc) =	sbr.rel .LBB2_7-.Ltmp4, $1  }
0x40: {  	_ =	sdelay $0x3  }
.LBB2_2:
0x41: {  	[spmem:s14], [sflag:s13] =	dma.local [hbm:s5], $0x2800  }
0x42: {  	_ =	swait.ge [sflag:s15], $0x2800  }
0x43: {  	[sflag:s15] =	ssyncset.done $0x0  }
0x44: {  	[sflag:s15] =	ssyncadd.s32 $0xFFFFD800  }
0x45: {  	s19 =	simm.s32 $0x0;
	[bflag:$0x0] =	sbarrier.arrive $0xFFFF  }
0x46: {  	[tilespmem:s19], [sflag:$0x1] =	stream.linear.gather [hbm4b:s6+s19], $0x2780, $0x38;
	[tilespmem:$0x1D000] =	vst v63  }
0x47: {  	_ =	swait.ge [sflag:s15], $0x2780  }
0x48: {  	[sflag:s15] =	ssyncset.done $0x0  }
0x49: {  	[sflag:s15] =	ssyncadd.s32 $0xFFFFD880  }
0x4a: {  	[tilespmem:s16], [sflag:$0x1] =	stream.linear.gather [hbm4b:s7+s19], $0x2780, $0x38;
	[tilespmem:$0x1D000] =	vst v63  }
0x4b: {  	_ =	swait.ge [sflag:s15], $0x2780  }
0x4c: {  	[sflag:s15] =	ssyncset.done $0x0  }
0x4d: {  	s30 =	simm.s32 $0x0;
	[sflag:s15] =	ssyncadd.s32 $0xFFFFD880  }
0x4e: {  	[tilespmem:s18], [sflag:$0x1] =	stream.indirect.gather [hbm4b:s4+s17], $0x80, s30, s17, $0xb8;
	[tilespmem:$0x1D000] =	vst v63  }
0x4f: {  	_ =	swait.ge [sflag:s15], $0x4000  }
0x50: {  	[sflag:s15] =	ssyncset.done $0x0  }
0x51: {  	s31 =	simm.s32 $0x2800;
	[sflag:s15] =	ssyncadd.s32 $0xFFFFC000  }
0x52: {  	[spmem:s2] =	stream.indirect.scatter.add.f32 [tilespmem:s18], [sflag:$0x1], $0x80, s31, s17, $0xb8;
	[tilespmem:$0x1D000] =	vst v63  }
0x53: {  	_ =	swait.ge [sflag:s15], $0x4000  }
0x54: {  	s20 =	simm.s32 $0x400;
	s19 =	simm.s32 $0x200;
	[sflag:s15] =	ssyncset.done $0x0  }
.LBB2_3:
0x55: {  	s21 =	sshra.s32 s19, $0x2  }
0x56: {  	[sflag:s15] =	ssyncadd.s32 $0xFFFFC000;
	s19 =	smov.u32 s20;
	s22 =	sadd.s32 $0x200, s20  }
0x57: {  	[tilespmem:s18], [sflag:$0x1] =	stream.indirect.gather [hbm4b:s4+s17], $0x80, s21, s17, $0xb8;
	[tilespmem:$0x1D000] =	vst v63  }
0x58: {  	p1 =	sne.s32 s20, $0x9C00;
	_ =	swait.ge [sflag:s15], $0x4000  }
.Ltmp5:
0x59: {  	[sflag:s15] =	ssyncset.done $0x0;
	(pc) =	sbr.rel @p1 .LBB2_3-.Ltmp5, $4  }
0x5a: {  	s20 =	sadd.s32 $0x2800, s21;
	[sflag:s15] =	ssyncadd.s32 $0xFFFFC000  }
0x5b: {  	[spmem:s2] =	stream.indirect.scatter.add.f32 [tilespmem:s18], [sflag:$0x1], $0x80, s20, s17, $0xb8;
	[tilespmem:$0x1D000] =	vst v63  }
0x5c: {  	_ =	swait.ge [sflag:s15], $0x4000  }
0x5d: {  	s20 =	smov.u32 s22;
	[sflag:s15] =	ssyncset.done $0x0  }
0x5e: {  	s19 =	sshra.s32 s19, $0x2;
	[sflag:s15] =	ssyncadd.s32 $0xFFFFC000  }
0x5f: {  	[tilespmem:s18], [sflag:$0x1] =	stream.indirect.gather [hbm4b:s4+s17], $0x80, s19, s17, $0xb8;
	[tilespmem:$0x1D000] =	vst v63  }
0x60: {  	_ =	swait.ge [sflag:s15], $0x4000  }
0x61: {  	[sflag:s15] =	ssyncset.done $0x0  }
.Ltmp6:
0x62: {  	s19 =	sadd.s32 $0x2800, s19;
	[sflag:s15] =	ssyncadd.s32 $0xFFFFC000;
	(pc) =	sbr.rel .LBB2_8-.Ltmp6, $4  }
0x63: {  	[spmem:s2] =	stream.indirect.scatter.add.f32 [tilespmem:s18], [sflag:$0x1], $0x80, s19, s17, $0xb8;
	[tilespmem:$0x1D000] =	vst v63  }
0x64: {  	_ =	swait.ge [sflag:s15], $0x4000  }
0x65: {  	[sflag:s15] =	ssyncset.done $0x0  }
0x66: {  	[sflag:s15] =	ssyncadd.s32 $0xFFFFC000  }
.LBB2_9:
0x67: {  	_ =	sfence.sel $0x180000  }
0x68: {  	[bflag:$0x0] =	sbarrier.arrive $0xFFFF  }
0x69: {  	p0 =	sne.s32 s0, $0x0;
	_ =	strace $0x9000004D  }
0x6a: {  	s0 =	sadd.s32 @!p0 $0x100000, s1;
	[bflag:$0x2] =	sbarrier.arrive $0xFFFF  }
0x6b: {  	[sflag:s0] =	ssyncadd.tile.s32 @!p0 $0x1;
	_ =	shalt  }
.Lfunc_end2:
_tile_overlayer_lowered:
.L_overlay_start_2:
0x6c: {  	(tag) =	ssettag $0x2  }
0x6d: {  	s0 =	rddreg [dreg:$0x0];
	s2 =	stileid.u32  }
0x6e: {  	s1 =	rddreg [dreg:$0x1];
	p0 =	sne.s32 s2, $0x0  }
0x6f: {  	s3 =	rddreg [dreg:$0x2];
	[bflag:$0x3] =	sbarrier.arrive $0xFFFF;
	s2 =	simm.s32 @!p0 $0x1C01  }
0x70: {  	[timem:s3], [sflag:s2] =	dma.local @!p0 [hbm:s0], s1  }
0x71: {  	s0 =	simm.s32 @!p0 $0x1  }
0x72: {  	_ =	swait.ge @!p0 [sflag:s0], s1  }
0x73: {  	s1 =	ssub.s32 @!p0 $0x0, s1;
	[sflag:s0] =	ssyncset.done @!p0 $0x0  }
0x74: {  	[sflag:s0] =	ssyncadd.s32 @!p0 s1  }
0x75: {  	[bflag:$0x3] =	sbarrier.arrive $0xFFFF  }
0x76: {  	_ =	shalt  }

// kernel: kernel.8.cloned.1.call-start
scs
__scs_entry_jumppad:
0x0: {  	(pc) =	sbr.rel $0x88, $3  }
0x1: {  	(tag) =	ssettag $0x0;
	lr =	simm.s32 $0x1  }
0x2: {  	[smem:$0x3F9B] =	sst lr;
	_ =	strace $0xD0000000  }
0x3: {  	_ = 	snop  }
0x4: {  	_ = 	snop  }
0x5: {  	_ = 	snop  }
0x6: {  	_ = 	snop  }
0x7: {  	_ = 	snop  }
__scs_overlays_trampoline_lowered:
0x8: {  	[smem:$0x3FAA] =	sst s0  }
0x9: {  	[smem:$0x3FAB] =	sst s1  }
0xa: {  	[smem:$0x3FAC] =	sst s2  }
0xb: {  	[smem:$0x3FAD] =	sst s3  }
0xc: {  	[smem:$0x3FAE] =	sst s4  }
0xd: {  	[smem:$0x3FAF] =	sst s5  }
0xe: {  	[smem:$0x3FB0] =	sst s6  }
0xf: {  	[smem:$0x3FB1] =	sst s7  }
0x10: {  	[smem:$0x3FB2] =	sst s8  }
0x11: {  	[smem:$0x3FB3] =	sst s9;
	s0 =	simm.s32 @!p0 $0x0  }
0x12: {  	s1 =	sld [smem:$0x3F99];
	s0 =	simm.s32 @p0 $0x1  }
0x13: {  	[smem:$0x3FB4] =	sst s0;
	s0 =	simm.s32 @!p1 $0x0  }
0x14: {  	s2 =	sld [smem:$0x3F98];
	s0 =	simm.s32 @p1 $0x1  }
0x15: {  	[smem:$0x3FB5] =	sst s0;
	s0 =	simm.s32 @!p2 $0x0  }
0x16: {  	s3 =	sld [smem:$0x3FDB];
	s0 =	simm.s32 @p2 $0x1  }
0x17: {  	s4 =	simm.s32 $0x1BF5;
	[smem:$0x3FB7] =	sst s0  }
0x18: {  	s0 =	sld [smem:$0x3F9A];
	_ =	swait.ge [sflag:s4], $0x0  }
0x19: {  	s7 =	sld [smem:$0x3F9B]  }
0x1a: {  	s8 =	sadd.s32 $0xFFFFE003, lr  }
0x1b: {  	s9 =	sadd.s32 $0xFFFFFEF7, lr;
	s5 =	simm.s32 $0xFFFFFFFF;
	p2 =	slt.u32 s8, $0xFFFFF086  }
0x1c: {  	p1 =	slt.u32 s9, $0xF7A;
	s5 =	simm.s32 @!p2 $0x0  }
0x1d: {  	s5 =	simm.s32 @p1 $0x1;
	p0 =	seq.s32 s7, s2  }
0x1e: {  	s7 =	smul.u32 @!p0 $0xF7A, s2;
	p2 =	seq.s32 @!p0 s5, $0x0  }
0x1f: {  	s9 =	smul.u32 $0xF7A, s1;
	s8 =	simm.s32 @!p0 $0x1BF5;
	p2 =	por !p2, p0  }
0x20: {  	[sflag:s8] =	ssyncset.s32 @!p0 $0xFFFFF086;
	s6 =	sadd.s32 @!p0 s3, s7;
	s7 =	simm.s32 @!p0 $0x108  }
0x21: {  	s3 =	sadd.s32 s3, s9;
	s6 =	sadd.s32 @!p0 $0x88, s6;
	s7 =	simm.s32 @p2 $0x1082  }
0x22: {  	[simem:s7], [sflag:s8] =	dma.local @!p0 [hbm:s6], $0xF7A  }
0x23: {  	s9 =	sor.u32 $0xD0000000, s2;
	s6 =	simm.s32 $0x108;
	_ =	swait.ge @!p0 [sflag:s8], $0x0  }
0x24: {  	s3 =	sadd.s32 $0x88, s3;
	s6 =	simm.s32 @!p1 $0x1082;
	[sflag:s4] =	ssyncset.s32 $0xFFFFF086  }
0x25: {  	[simem:s6], [sflag:s4] =	dma.local [hbm:s3], $0xF7A  }
0x26: {  	[smem:$0x3F9B] =	sst s1;
	(tag) =	ssettag s2;
	_ =	strace s9  }
0x27: {  	s1 =	sld [smem:$0x3FAB]  }
0x28: {  	s2 =	sld [smem:$0x3FAC]  }
0x29: {  	s4 =	sld [smem:$0x3FAE]  }
0x2a: {  	p0 =	seq.s32 s5, $0x0;
	s5 =	sld [smem:$0x3FAF]  }
0x2b: {  	s6 =	sld [smem:$0x3FB0]  }
0x2c: {  	s7 =	sld [smem:$0x3FB1]  }
0x2d: {  	s3 =	simm.s32 $0x108;
	s8 =	sld [smem:$0x3FB2]  }
0x2e: {  	s3 =	simm.s32 @!p0 $0x1082;
	s9 =	sld [smem:$0x3FB3]  }
0x2f: {  	lr =	sadd.s32 s0, s3;
	s0 =	sld [smem:$0x3FAA]  }
0x30: {  	s3 =	sld [smem:$0x3FAD]  }
0x31: {  	[smem:$0x3FB6] =	sst s10  }
0x32: {  	s10 =	sld [smem:$0x3FB4];
	_ =	sdelay $0x3  }
0x33: {  	p0 =	seq.s32 s10, $0x1;
	s10 =	sld [smem:$0x3FB6];
	_ =	sdelay $0x3  }
0x34: {  	[smem:$0x3FB6] =	sst s10  }
0x35: {  	s10 =	sld [smem:$0x3FB5];
	_ =	sdelay $0x3  }
0x36: {  	p1 =	seq.s32 s10, $0x1;
	s10 =	sld [smem:$0x3FB6];
	_ =	sdelay $0x3  }
0x37: {  	[smem:$0x3FB6] =	sst s10  }
0x38: {  	s10 =	sld [smem:$0x3FB7]  }
0x39: {  	_ = 	snop;
	(pc) =	sbr.ind lr, $3  }
0x3a: {  	_ = 	snop  }
0x3b: {  	_ = 	snop  }
0x3c: {  	p2 =	seq.s32 s10, $0x1;
	s10 =	sld [smem:$0x3FB6]  }
0x3d: {  	_ =	shalt  }
0x3e: {  	_ =	shalt  }
0x3f: {  	_ =	shalt  }
0x40: {  	_ =	shalt  }
0x41: {  	_ =	shalt  }
0x42: {  	_ =	shalt  }
0x43: {  	_ =	shalt  }
0x44: {  	_ =	shalt  }
0x45: {  	_ =	shalt  }
0x46: {  	_ =	shalt  }
0x47: {  	_ =	shalt  }
0x48: {  	_ =	shalt  }
0x49: {  	_ =	shalt  }
0x4a: {  	_ =	shalt  }
0x4b: {  	_ =	shalt  }
0x4c: {  	_ =	shalt  }
0x4d: {  	_ =	shalt  }
0x4e: {  	_ =	shalt  }
0x4f: {  	_ =	shalt  }
0x50: {  	_ =	shalt  }
0x51: {  	_ =	shalt  }
0x52: {  	_ =	shalt  }
0x53: {  	_ =	shalt  }
0x54: {  	_ =	shalt  }
0x55: {  	_ =	shalt  }
0x56: {  	_ =	shalt  }
0x57: {  	_ =	shalt  }
0x58: {  	_ =	shalt  }
0x59: {  	_ =	shalt  }
0x5a: {  	_ =	shalt  }
0x5b: {  	_ =	shalt  }
0x5c: {  	_ =	shalt  }
0x5d: {  	_ =	shalt  }
0x5e: {  	_ =	shalt  }
0x5f: {  	_ =	shalt  }
0x60: {  	_ =	shalt  }
0x61: {  	_ =	shalt  }
0x62: {  	_ =	shalt  }
0x63: {  	_ =	shalt  }
0x64: {  	_ =	shalt  }
0x65: {  	_ =	shalt  }
0x66: {  	_ =	shalt  }
0x67: {  	_ =	shalt  }
0x68: {  	_ =	shalt  }
0x69: {  	_ =	shalt  }
0x6a: {  	_ =	shalt  }
0x6b: {  	_ =	shalt  }
0x6c: {  	_ =	shalt  }
0x6d: {  	_ =	shalt  }
0x6e: {  	_ =	shalt  }
0x6f: {  	_ =	shalt  }
0x70: {  	_ =	shalt  }
0x71: {  	_ =	shalt  }
0x72: {  	_ =	shalt  }
0x73: {  	_ =	shalt  }
0x74: {  	_ =	shalt  }
0x75: {  	_ =	shalt  }
0x76: {  	_ =	shalt  }
0x77: {  	_ =	shalt  }
0x78: {  	_ =	shalt  }
0x79: {  	_ =	shalt  }
0x7a: {  	_ =	shalt  }
0x7b: {  	_ =	shalt  }
0x7c: {  	_ =	shalt  }
0x7d: {  	_ =	shalt  }
0x7e: {  	_ =	shalt  }
0x7f: {  	_ =	shalt  }
0x80: {  	_ =	shalt  }
0x81: {  	_ =	shalt  }
0x82: {  	_ =	shalt  }
0x83: {  	_ =	shalt  }
0x84: {  	_ =	shalt  }
0x85: {  	_ =	shalt  }
0x86: {  	_ =	shalt  }
0x87: {  	_ =	shalt  }
.Lfunc_end0:
.L_simem_size_0:
called_computation_lowered:
.L_overlay_start_0:
0x88: {  	s2 =	sld [smem:$0x3FD9]  }
0x89: {  	s3 =	sld [smem:$0x3FFE];
	_ =	sdelay $0x1  }
0x8a: {  	s1 =	srdreg.scid  }
0x8b: {  	s0 =	sand.u32 $0x1, s1  }
0x8c: {  	s17 =	sshll.u32 s0, $0xA;
	s2 =	sadd.s32 s3, s2  }
0x8d: {  	s2 =	sadd.s32 s2, s17  }
0x8e: {  	[smem:$0x3FC2] =	sst s2  }
0x8f: {  	_ = 	snop  }
0x90: {  	s2 =	sld [smem:$0x3FD0];
	(tm) =	ssettm $0x1  }
0x91: {  	s18 =	sld [smem:$0x3FFB];
	_ =	sdelay $0x3  }
0x92: {  	_ =	strace s18  }
0x93: {  	s3 =	sld [smem:$0x3FFC];
	_ =	sdelay $0x3  }
0x94: {  	_ =	strace s3  }
0x95: {  	s3 =	sld [smem:$0x3FFD];
	_ =	sdelay $0x3  }
0x96: {  	_ =	strace s3  }
0x97: {  	_ =	strace $0x8FFFFFFF  }
0x98: {  	s19 =	sld [smem:$0x3FDB];
	_ =	sdelay $0x1  }
0x99: {  	s4 =	simm.s32 $_scs_section_size  }
0x9a: {  	s5 =	simm.s32 $_size__tile_overlayer_lowered;
	s6 =	simm.s32 $_tile_overlayer_lowered  }
0x9b: {  	s22 =	simm.s32 $0x1BFF;
	s21 =	sshll.u32 s6, $0x1;
	s3 =	sadd.s32 s4, s19  }
0x9c: {  	s7 =	simm.s32 $0x0;
	s20 =	sshll.u32 s5, $0x1;
	s5 =	sadd.s32 s21, s3  }
0x9d: {  	[timem:s7], [sflag:s22] =	dma.local [hbm:s5], s20  }
0x9e: {  	_ =	swait.ge [sflag:s22], s20  }
0x9f: {  	s4 =	ssub.s32 $0x0, s20;
	[sflag:s22] =	ssyncset.done $0x0  }
0xa0: {  	[sflag:s22] =	ssyncadd.s32 s4;
	_ =	sdelay $0x1  }
0xa1: {  	s23 =	simm.s32 $0x1B8B  }
0xa2: {  	_ =	swait.ge [sflag:s23], $0x1  }
0xa3: {  	[sflag:s23] =	ssyncset.done $0x0  }
0xa4: {  	s25 =	simm.s32 $0x1B8E;
	s24 =	sld [smem:$0x3FFE];
	[sflag:s23] =	ssyncadd.s32 $0xFFFFFFFF  }
0xa5: {  	s26 =	simm.s32 $execute0_lowered;
	[smem:$0x3FD2] =	sst s25  }
0xa6: {  	s5 =	sshll.u32 s26, $0x1;
	_ =	strace $0x80000046;
	[dreg:$0x1] =	wrdreg $0xFFFFFFFF  }
0xa7: {  	s28 =	simm.s32 $_size_execute0_lowered;
	s3 =	sadd.s32 s3, s5;
	[dreg:$0x0] =	wrdreg $0x0  }
0xa8: {  	s5 =	sshll.u32 s28, $0x1;
	[dreg:$0x2] =	wrdreg s3  }
0xa9: {  	[dreg:$0x3] =	wrdreg s5  }
0xaa: {  	[dreg:$0x4] =	wrdreg $0xC0  }
0xab: {  	_ =	task [dreg:s7], $0x5FFFF  }
0xac: {  	[dreg:$0x1] =	wrdreg $0xFFFFFFFF  }
0xad: {  	[dreg:$0x0] =	wrdreg $0x60  }
0xae: {  	[dreg:$0x2] =	wrdreg s2  }
0xaf: {  	[dreg:$0x3] =	wrdreg s24  }
0xb0: {  	[dreg:$0x4] =	wrdreg $0x68000  }
0xb1: {  	[dreg:$0x5] =	wrdreg $0x9  }
0xb2: {  	_ =	task.clear_ibuf [dreg:s7], $0x6FFFF;
	_ =	strace $0x90000046  }
0xb3: {  	s29 =	simm.s32 $0x9;
	_ =	strace $0x80000048  }
0xb4: {  	_ =	swait.ge [sflag:s29], $0x1  }
0xb5: {  	[sflag:s29] =	ssyncadd.s32 $0xFFFFFFFF  }
0xb6: {  	_ =	strace $0x90000048  }
0xb7: {  	_ =	sfence  }
0xb8: {  	s30 =	sld [smem:$0x0];
	_ =	sdelay $0x2  }
0xb9: {  	s31 =	sshll.u32 s1, $0xD;
	s1 =	sshrl.u32 s1, $0x2  }
0xba: {  	s3 =	sand.u32 $0x4000, s31;
	s1 =	sadd.s32 s1, s30  }
0xbb: {  	s0 =	sor.u32 s3, s0;
	s1 =	sshll.u32 s1, $0x11  }
0xbc: {  	s0 =	sor.u32 s1, s0  }
0xbd: {  	s0 =	sadd.s32 $0x8F2B, s0  }
0xbe: {  	[sflag:s0] =	ssyncadd.remote.s32 $0x1  }
0xbf: {  	_ =	sfence.sel $0xFFFF  }
0xc0: {  	[dreg:$0x0] =	wrdreg $0xFFFFFFFF;
	(pc) =	sbr.abs _section_cstart, $3  }
0xc1: {  	[dreg:$0x1] =	wrdreg $0xFFFFFFFF  }
0xc2: {  	_ =	task.clear_ibuf [dreg:s7], $0x2FFFF;
	_ =	strace $0x9FFFFFFF  }
0xc3: {  	(tm) =	ssettm $0x7FFFFFFF  }
tec
execute0_lowered:
.L_overlay_start_1:
0x0: {  	(tag) =	ssettag $0x1  }
0x1: {  	s7 =	rddreg [dreg:$0x0]  }
0x2: {  	s5 =	rddreg [dreg:$0x1];
	s0 =	stileid.u32  }
0x3: {  	s1 =	srdreg.scid;
	s2 =	rddreg [dreg:$0x2]  }
0x4: {  	s3 =	simm.s32 $0x0;
	s13 =	simm.s32 $0x80;
	s14 =	simm.s32 $0x0  }
0x5: {  	s4 =	smul.u32 $0x14000, s0;
	s6 =	sand.u32 $0x1, s1;
	s1 =	rddreg [dreg:$0x3]  }
0x6: {  	[smem:$0x7FF] =	sst s3;
	s11 =	smul.u32 $0x50000, s0;
	s12 =	sshll.u32 s0, $0x1  }
0x7: {  	s31 =	sshll.u32 s0, $0x6;
	s8 =	smul.u32 $0x140000, s6;
	_ =	strace $0x80000047  }
0x8: {  	s10 =	ssub.s32 $0x2, s6;
	s6 =	sor.u32 s6, s12;
	s12 =	simm.s32 $0x2800  }
0x9: {  	s9 =	sshrl.u32 s4, $0x3;
	s26 =	sshrl.u32 s10, $0x1;
	s28 =	sshrl.u32 s11, $0x2  }
0xa: {  	s29 =	smul.u32 $0x500, s6;
	s6 =	sor.u32 $0x1C01, s31;
	s11 =	simm.s32 $0x1  }
0xb: {  	s8 =	sadd.s32 s4, s8;
	s4 =	sadd.s32 $0x2000, s5;
	s9 =	sadd.s32 s9, s5  }
0xc: {  	s10 =	ssub.s32 s10, s26;
	s30 =	sadd.s32 s28, s2;
	s8 =	sshrl.u32 s8, $0x3  }
0xd: {  	s7 =	sadd.s32 s7, s29;
	s8 =	sadd.s32 s8, s5;
	s5 =	sadd.s32 $0x2800, s9  }
0xe: {  	s9 =	smax.u32 s10, $0x1;
	s10 =	sshrl.u32 s30, $0x3;
	s8 =	sadd.s32 $0x2A800, s8  }
.LBB2_1:
0xf: {  	[spmem:s10], [sflag:s6] =	dma.local [hbm:s5], $0x2800  }
0x10: {  	_ =	swait.ge [sflag:s11], $0x2800  }
0x11: {  	[sflag:s11] =	ssyncset.done $0x0  }
0x12: {  	[sflag:s11] =	ssyncadd.s32 $0xFFFFD800  }
0x13: {  	[tilespmem:s3], [sflag:$0x1] =	stream.linear.gather [hbm4b:s7+s3], $0x2780, $0x38;
	[tilespmem:$0x1A800] =	vst v63  }
0x14: {  	_ =	swait.ge [sflag:s11], $0x2780  }
0x15: {  	[sflag:s11] =	ssyncset.done $0x0  }
0x16: {  	[sflag:s11] =	ssyncadd.s32 $0xFFFFD880  }
0x17: {  	[tilespmem:s12], [sflag:$0x1] =	stream.linear.gather [hbm4b:s4+s3], $0x4000, $0x38;
	[tilespmem:$0x1A800] =	vst v63  }
0x18: {  	_ =	swait.ge [sflag:s11], $0x4000  }
0x19: {  	[sflag:s11] =	ssyncset.done $0x0  }
0x1a: {  	[sflag:s11] =	ssyncadd.s32 $0xFFFFC000  }
0x1b: {  	s15 =	simm.s32 $0x0;
	[bflag:$0x0] =	sbarrier.arrive $0xFFFF  }
0x1c: {  	[spmem:s2] =	stream.indirect.scatter.add.f32 [tilespmem:s12], [sflag:$0x1], $0x80, s15, s13, $0xb8;
	[tilespmem:$0x1A800] =	vst v63  }
0x1d: {  	_ =	swait.ge [sflag:s11], $0x4000  }
0x1e: {  	s15 =	simm.s32 $0x200;
	[sflag:s11] =	ssyncset.done $0x0  }
.LBB2_2:
0x1f: {  	s16 =	sshra.s32 s15, $0x2;
	[sflag:s11] =	ssyncadd.s32 $0xFFFFC000;
	p0 =	sne.s32 s15, $0x9C00  }
0x20: {  	[spmem:s2] =	stream.indirect.scatter.add.f32 [tilespmem:s12], [sflag:$0x1], $0x80, s16, s13, $0xb8;
	[tilespmem:$0x1A800] =	vst v63  }
.Ltmp0:
0x21: {  	_ = 	snop;
	(pc) =	sbr.rel @p0 .LBB2_2-.Ltmp0, $4  }
0x22: {  	_ = 	snop  }
0x23: {  	s15 =	sadd.s32 $0x200, s15  }
0x24: {  	_ =	swait.ge [sflag:s11], $0x4000  }
0x25: {  	[sflag:s11] =	ssyncset.done $0x0  }
0x26: {  	s14 =	sadd.s32 $0x1, s14  }
0x27: {  	[sflag:s11] =	ssyncadd.s32 $0xFFFFC000;
	p0 =	sne.s32 s14, s9  }
.Ltmp1:
0x28: {  	[bflag:$0x0] =	sbarrier.arrive $0xFFFF;
	(pc) =	sbr.rel @p0 .LBB2_1-.Ltmp1, $4  }
0x29: {  	[hbm:s8], [sflag:s6] =	dma.local [spmem:s10], $0x2800  }
0x2a: {  	_ =	swait.ge [sflag:s11], $0x2800  }
0x2b: {  	[sflag:s11] =	ssyncset.done $0x0  }
0x2c: {  	[sflag:s11] =	ssyncadd.s32 $0xFFFFD800  }
0x2d: {  	_ =	sfence.sel $0x180000  }
0x2e: {  	[bflag:$0x0] =	sbarrier.arrive $0xFFFF  }
0x2f: {  	p0 =	sne.s32 s0, $0x0;
	_ =	strace $0x90000047  }
0x30: {  	s0 =	sadd.s32 @!p0 $0x100000, s1;
	[bflag:$0x2] =	sbarrier.arrive $0xFFFF  }
0x31: {  	[sflag:s0] =	ssyncadd.tile.s32 @!p0 $0x1;
	_ =	shalt  }
.Lfunc_end2:
_tile_overlayer_lowered:
.L_overlay_start_2:
0x32: {  	(tag) =	ssettag $0x2  }
0x33: {  	s0 =	rddreg [dreg:$0x0];
	s2 =	stileid.u32  }
0x34: {  	s1 =	rddreg [dreg:$0x1];
	p0 =	sne.s32 s2, $0x0  }
0x35: {  	s3 =	rddreg [dreg:$0x2];
	[bflag:$0x3] =	sbarrier.arrive $0xFFFF;
	s2 =	simm.s32 @!p0 $0x1C01  }
0x36: {  	[timem:s3], [sflag:s2] =	dma.local @!p0 [hbm:s0], s1  }
0x37: {  	s0 =	simm.s32 @!p0 $0x1  }
0x38: {  	_ =	swait.ge @!p0 [sflag:s0], s1  }
0x39: {  	s1 =	ssub.s32 @!p0 $0x0, s1;
	[sflag:s0] =	ssyncset.done @!p0 $0x0  }
0x3a: {  	[sflag:s0] =	ssyncadd.s32 @!p0 s1  }
0x3b: {  	[bflag:$0x3] =	sbarrier.arrive $0xFFFF  }
0x3c: {  	_ =	shalt  }

</sc_bundles>
